<compile_context>
chip_gen: v7x
topology: tpu7x:2x2x1
jax: 0.10.2.dev20260603
libtpu: 0.0.44.dev20260713+nightly
codegen_flags: <defaults>
</compile_context>

<pallas_src>
import functools

import jax
import jax.numpy as jnp
from jax import lax
from jax.experimental import pallas as pl
from jax.experimental.pallas import tpu as pltpu
from jax.experimental.pallas import tpu_sc as plsc

TIME_STEPS = 1000
EMBED_DIM = 512
BATCH = 16384

LANE = 128
SPLIT = EMBED_DIM // LANE
NUM_ROWS = BATCH * SPLIT
TBL_ROWS = TIME_STEPS * SPLIT

NUM_CORES = 2
NUM_SUBCORES = 16
NUM_WORKERS = NUM_CORES * NUM_SUBCORES
T_PER_WORKER = BATCH // NUM_WORKERS
CHUNK = 64
NUM_CHUNKS = T_PER_WORKER // CHUNK
OUT_ROWS_PER_CHUNK = CHUNK * SPLIT
NBUF = 2


@functools.partial(
    pl.kernel,
    out_type=jax.ShapeDtypeStruct((NUM_ROWS, LANE), jnp.float32),
    mesh=plsc.VectorSubcoreMesh(core_axis_name="c", subcore_axis_name="s"),
    scratch_types=[
        pltpu.VMEM((SPLIT, LANE), jnp.int32),
        pltpu.VMEM((NBUF, CHUNK, SPLIT, LANE), jnp.float32),
        pltpu.VMEM_SHARED((TIME_STEPS, SPLIT, LANE), jnp.float32),
        pltpu.SemaphoreType.DMA((NBUF,)),
        pltpu.SemaphoreType.DMA((NBUF,)),
    ],
)
def _gather_kernel(t_hbm, pe_hbm, out_hbm, idx_v, rows_v, pe_sh, gsem, osem):
    wid = lax.axis_index("s") * NUM_CORES + lax.axis_index("c")
    sid = lax.axis_index("s")
    base = pl.multiple_of(wid * T_PER_WORKER * SPLIT, OUT_ROWS_PER_CHUNK)

    pltpu.sync_copy(t_hbm.at[pl.ds(SPLIT * wid, SPLIT)], idx_v)

    def idx_slice(j):
        return idx_v.at[j // 2, pl.ds((j % 2) * CHUNK, CHUNK)]

    gathers = [None] * NUM_CHUNKS
    writes = [None] * NUM_CHUNKS
    for j in range(min(NBUF, NUM_CHUNKS)):
        gathers[j] = pltpu.async_copy(
            pe_hbm.at[idx_slice(j)], rows_v.at[j % NBUF], gsem.at[j % NBUF]
        )

    srow = jnp.minimum(sid * 63, TIME_STEPS - 63)
    pltpu.sync_copy(
        pe_hbm.at[pl.ds(srow, 63)],
        pe_sh.at[pl.ds(srow, 63)],
    )
    plsc.subcore_barrier()
    for j in range(NUM_CHUNKS):
        b = j % NBUF
        gathers[j].wait()
        writes[j] = pltpu.async_copy(
            rows_v.at[b].reshape(OUT_ROWS_PER_CHUNK, LANE),
            out_hbm.at[pl.ds(base + j * OUT_ROWS_PER_CHUNK, OUT_ROWS_PER_CHUNK)],
            osem.at[b],
        )
        nxt = j + NBUF
        if nxt < NUM_CHUNKS:
            writes[j].wait()
            gathers[nxt] = pltpu.async_copy(
                pe_sh.at[idx_slice(nxt)], rows_v.at[b], gsem.at[b]
            )
    for j in range(max(0, NUM_CHUNKS - NBUF), NUM_CHUNKS):
        writes[j].wait()


def kernel(t, pe):
    t2 = t.astype(jnp.int32).reshape(BATCH // LANE, LANE)
    pe3 = pe.reshape(TIME_STEPS, SPLIT, LANE)
    out = _gather_kernel(t2, pe3)
    return out.reshape(BATCH, EMBED_DIM, 1, 1)

# --- scband reference (transcript-rebuilt; emitter-appended) ---
"""Pipeline reference for scband-positional-encoding-54468775248213 (READ-ONLY COPY).

The authoritative reference and input builder live on the scoring server;
editing this copy changes nothing except your own understanding.
"""

import jax, jax.numpy as jnp
import numpy as np

TIME_STEPS = 1000
EMBED_DIM = 512
BATCH = 16384


def _build_pe():
    even_i = jnp.arange(0, EMBED_DIM, 2, dtype=jnp.float32)
    odd_i = jnp.arange(1, EMBED_DIM, 2, dtype=jnp.float32)
    even_den = 10000.0 ** (even_i / EMBED_DIM)
    odd_den = 10000.0 ** ((odd_i - 1.0) / EMBED_DIM)
    position = jnp.arange(0, TIME_STEPS, dtype=jnp.float32).reshape(TIME_STEPS, 1)
    pe = jnp.zeros((TIME_STEPS, EMBED_DIM), dtype=jnp.float32)
    pe = pe.at[:, 0:EMBED_DIM:2].set(jnp.sin(position / even_den))
    pe = pe.at[:, 1:EMBED_DIM:2].set(jnp.cos(position / odd_den))
    return pe


def setup_inputs(seed: int = 0) -> dict:
    key = jax.random.key(seed)
    t = jax.random.randint(key, (BATCH,), 0, TIME_STEPS)
    pe = _build_pe()
    return {"t": t, "pe": pe}


def reference(t, pe):
    batch_size = t.shape[0]
    selected_pe = jnp.take(pe, t, axis=0)
    return selected_pe.reshape(batch_size, EMBED_DIM, 1, 1)

if __name__ == "__main__":
    import jax
    _d = setup_inputs()
    print(jax.jit(kernel)(*tuple(_d.values())))

</pallas_src>

<mosaic_0001>
#map = affine_map<(d0, d1) -> (0, 0)>
#map1 = affine_map<(d0, d1) -> (0, 0, 0)>
module attributes {stable_mosaic.version = 14 : i64} {
  func.func @_gather_kernel(%arg0: i32, %arg1: i32, %arg2: memref<128x128xi32, #tpu.memory_space<hbm>>, %arg3: memref<1000x4x128xf32, #tpu.memory_space<hbm>>, %arg4: memref<65536x128xf32, #tpu.memory_space<hbm>>, %arg5: memref<4x128xi32, #tpu.memory_space<vmem>>, %arg6: memref<2x64x4x128xf32, #tpu.memory_space<vmem>>, %arg7: memref<1000x4x128xf32, #tpu.memory_space<vmem_shared>>, %arg8: memref<2x!tpu.dma_semaphore, #tpu.memory_space<semaphore_mem>>, %arg9: memref<2x!tpu.dma_semaphore, #tpu.memory_space<semaphore_mem>>) attributes {dimension_semantics = [#tpu.dimension_semantics<core_parallel>, #tpu.dimension_semantics<subcore_parallel>], iteration_bounds = array<i64: 2, 16>, scalar_prefetch = 0 : i64, scratch_operands = 5 : i64, tpu.core_type = #tpu.core_type<sc_vector_subcore>, window_params = [{transform_indices = #map}, {transform_indices = #map1}, {transform_indices = #map}]} {
    %mul3A = arith.constant 2 : i32
    %mul3A_0 = arith.muli %arg1, %mul3A : i32
    %add3A = arith.addi %mul3A_0, %arg0 : i32
    %mul3A_1 = arith.constant 512 : i32
    %mul3A_2 = arith.muli %add3A, %mul3A_1 : i32
    %mul3A_3 = arith.constant 4 : i32
    %mul3A_4 = arith.muli %mul3A_2, %mul3A_3 : i32
    %multiple_of3A = tpu.assume_multiple %mul3A_4, 256 : i32
    %mul3A_5 = arith.constant 4 : i32
    %mul3A_6 = arith.muli %mul3A_5, %add3A : i32
    "tpu.region"() ({
      %run_scoped3A = tpu.sem_alloc : memref<!tpu.dma_semaphore, #tpu.memory_space<semaphore_mem>>
      %dma_start3A_616 = arith.constant 0 : i32
      %dma_start3A_617 = tpu.memref_slice %arg2[%mul3A_6, %dma_start3A_616] : memref<128x128xi32, #tpu.memory_space<hbm>> -> memref<4x128xi32, #tpu.memory_space<hbm>>
      %dma_start3A_618 = arith.constant 0 : i32
      %dma_start3A_619 = tpu.memref_slice %arg2[%mul3A_6, %dma_start3A_618] : memref<128x128xi32, #tpu.memory_space<hbm>> -> memref<4x128xi32, #tpu.memory_space<hbm>>
      tpu.enqueue_dma source(%dma_start3A_619 : memref<4x128xi32, #tpu.memory_space<hbm>>) target(%arg5 : memref<4x128xi32, #tpu.memory_space<vmem>>) target_semaphore(%run_scoped3A : memref<!tpu.dma_semaphore, #tpu.memory_space<semaphore_mem>>)
      %dma_wait3A_620 = arith.constant 0 : i32
      %dma_wait3A_621 = tpu.memref_slice %arg2[%mul3A_6, %dma_wait3A_620] : memref<128x128xi32, #tpu.memory_space<hbm>> -> memref<4x128xi32, #tpu.memory_space<hbm>>
      %dma_wait3A_622 = arith.constant 0 : i32
      %dma_wait3A_623 = tpu.memref_slice %arg2[%mul3A_6, %dma_wait3A_622] : memref<128x128xi32, #tpu.memory_space<hbm>> -> memref<4x128xi32, #tpu.memory_space<hbm>>
      tpu.wait_dma2 semaphore(%run_scoped3A : memref<!tpu.dma_semaphore, #tpu.memory_space<semaphore_mem>>) src(%dma_wait3A_623 : memref<4x128xi32, #tpu.memory_space<hbm>>) dst(%arg5 : memref<4x128xi32, #tpu.memory_space<vmem>>)
      tpu.yield
    }) : () -> ()
    %dma_start3A = arith.constant 0 : i32
    %dma_start3A_7 = arith.constant 0 : i32
    %dma_start3A_8 = arith.constant 0 : i32
    %dma_start3A_9 = arith.constant 0 : i32
    %dma_start3A_10 = arith.constant 0 : i32
    %dma_start3A_11 = arith.constant 0 : i32
    %dma_start3A_12 = tpu.memref_slice %arg6[%dma_start3A_7, %dma_start3A_9, %dma_start3A_10, %dma_start3A_11] : memref<2x64x4x128xf32, #tpu.memory_space<vmem>> -> memref<1x64x4x128xf32, #tpu.memory_space<vmem>>
    %dma_start3A_13 = tpu.memref_squeeze %dma_start3A_12 : memref<1x64x4x128xf32, #tpu.memory_space<vmem>> -> memref<64x4x128xf32, #tpu.memory_space<vmem>>
    %dma_start3A_14 = arith.constant 0 : i32
    %dma_start3A_15 = tpu.memref_slice %arg5[%dma_start3A, %dma_start3A_14] : memref<4x128xi32, #tpu.memory_space<vmem>> -> memref<1x64xi32, #tpu.memory_space<vmem>>
    %dma_start3A_16 = tpu.memref_squeeze %dma_start3A_15 : memref<1x64xi32, #tpu.memory_space<vmem>> -> memref<64xi32, #tpu.memory_space<vmem>>
    %dma_start3A_17 = arith.constant 0 : i32
    %dma_start3A_18 = arith.constant 0 : i32
    %dma_start3A_19 = arith.constant 0 : i32
    %dma_start3A_20 = tpu.memref_slice %arg3[%dma_start3A_17, %dma_start3A_18, %dma_start3A_19] : memref<1000x4x128xf32, #tpu.memory_space<hbm>> -> memref<1000x4x128xf32, #tpu.memory_space<hbm>>
    %dma_start3A_21 = tpu.memref_slice %arg8[%dma_start3A_8] : memref<2x!tpu.dma_semaphore, #tpu.memory_space<semaphore_mem>> -> memref<1x!tpu.dma_semaphore, #tpu.memory_space<semaphore_mem>>
    %dma_start3A_22 = tpu.memref_squeeze %dma_start3A_21 : memref<1x!tpu.dma_semaphore, #tpu.memory_space<semaphore_mem>> -> memref<!tpu.dma_semaphore, #tpu.memory_space<semaphore_mem>>
    tpu.enqueue_indirect_dma source(%dma_start3A_20 : memref<1000x4x128xf32, #tpu.memory_space<hbm>>) target(%dma_start3A_13 : memref<64x4x128xf32, #tpu.memory_space<vmem>>) offsets(%dma_start3A_16 : memref<64xi32, #tpu.memory_space<vmem>>) semaphore(%dma_start3A_22 : memref<!tpu.dma_semaphore, #tpu.memory_space<semaphore_mem>>)
    %dma_start3A_23 = arith.constant 0 : i32
    %dma_start3A_24 = arith.constant 1 : i32
    %dma_start3A_25 = arith.constant 1 : i32
    %dma_start3A_26 = arith.constant 0 : i32
    %dma_start3A_27 = arith.constant 0 : i32
    %dma_start3A_28 = arith.constant 0 : i32
    %dma_start3A_29 = tpu.memref_slice %arg6[%dma_start3A_24, %dma_start3A_26, %dma_start3A_27, %dma_start3A_28] : memref<2x64x4x128xf32, #tpu.memory_space<vmem>> -> memref<1x64x4x128xf32, #tpu.memory_space<vmem>>
    %dma_start3A_30 = tpu.memref_squeeze %dma_start3A_29 : memref<1x64x4x128xf32, #tpu.memory_space<vmem>> -> memref<64x4x128xf32, #tpu.memory_space<vmem>>
    %dma_start3A_31 = arith.constant 64 : i32
    %dma_start3A_32 = tpu.memref_slice %arg5[%dma_start3A_23, %dma_start3A_31] : memref<4x128xi32, #tpu.memory_space<vmem>> -> memref<1x64xi32, #tpu.memory_space<vmem>>
    %dma_start3A_33 = tpu.memref_squeeze %dma_start3A_32 : memref<1x64xi32, #tpu.memory_space<vmem>> -> memref<64xi32, #tpu.memory_space<vmem>>
    %dma_start3A_34 = arith.constant 0 : i32
    %dma_start3A_35 = arith.constant 0 : i32
    %dma_start3A_36 = arith.constant 0 : i32
    %dma_start3A_37 = tpu.memref_slice %arg3[%dma_start3A_34, %dma_start3A_35, %dma_start3A_36] : memref<1000x4x128xf32, #tpu.memory_space<hbm>> -> memref<1000x4x128xf32, #tpu.memory_space<hbm>>
    %dma_start3A_38 = tpu.memref_slice %arg8[%dma_start3A_25] : memref<2x!tpu.dma_semaphore, #tpu.memory_space<semaphore_mem>> -> memref<1x!tpu.dma_semaphore, #tpu.memory_space<semaphore_mem>>
    %dma_start3A_39 = tpu.memref_squeeze %dma_start3A_38 : memref<1x!tpu.dma_semaphore, #tpu.memory_space<semaphore_mem>> -> memref<!tpu.dma_semaphore, #tpu.memory_space<semaphore_mem>>
    tpu.enqueue_indirect_dma source(%dma_start3A_37 : memref<1000x4x128xf32, #tpu.memory_space<hbm>>) target(%dma_start3A_30 : memref<64x4x128xf32, #tpu.memory_space<vmem>>) offsets(%dma_start3A_33 : memref<64xi32, #tpu.memory_space<vmem>>) semaphore(%dma_start3A_39 : memref<!tpu.dma_semaphore, #tpu.memory_space<semaphore_mem>>)
    %mul3A_40 = arith.constant 63 : i32
    %mul3A_41 = arith.muli %arg1, %mul3A_40 : i32
    %min3A = arith.constant 937 : i32
    %min3A_42 = arith.minsi %mul3A_41, %min3A : i32
    "tpu.region"() ({
      %run_scoped3A = tpu.sem_alloc : memref<!tpu.dma_semaphore, #tpu.memory_space<semaphore_mem>>
      %dma_start3A_616 = arith.constant 0 : i32
      %dma_start3A_617 = arith.constant 0 : i32
      %dma_start3A_618 = tpu.memref_slice %arg7[%min3A_42, %dma_start3A_616, %dma_start3A_617] : memref<1000x4x128xf32, #tpu.memory_space<vmem_shared>> -> memref<63x4x128xf32, #tpu.memory_space<vmem_shared>>
      %dma_start3A_619 = arith.constant 0 : i32
      %dma_start3A_620 = arith.constant 0 : i32
      %dma_start3A_621 = tpu.memref_slice %arg3[%min3A_42, %dma_start3A_619, %dma_start3A_620] : memref<1000x4x128xf32, #tpu.memory_space<hbm>> -> memref<63x4x128xf32, #tpu.memory_space<hbm>>
      tpu.enqueue_dma source(%dma_start3A_621 : memref<63x4x128xf32, #tpu.memory_space<hbm>>) target(%dma_start3A_618 : memref<63x4x128xf32, #tpu.memory_space<vmem_shared>>) target_semaphore(%run_scoped3A : memref<!tpu.dma_semaphore, #tpu.memory_space<semaphore_mem>>)
      %dma_wait3A_622 = arith.constant 0 : i32
      %dma_wait3A_623 = arith.constant 0 : i32
      %dma_wait3A_624 = tpu.memref_slice %arg7[%min3A_42, %dma_wait3A_622, %dma_wait3A_623] : memref<1000x4x128xf32, #tpu.memory_space<vmem_shared>> -> memref<63x4x128xf32, #tpu.memory_space<vmem_shared>>
      %dma_wait3A_625 = arith.constant 0 : i32
      %dma_wait3A_626 = arith.constant 0 : i32
      %dma_wait3A_627 = tpu.memref_slice %arg3[%min3A_42, %dma_wait3A_625, %dma_wait3A_626] : memref<1000x4x128xf32, #tpu.memory_space<hbm>> -> memref<63x4x128xf32, #tpu.memory_space<hbm>>
      tpu.wait_dma2 semaphore(%run_scoped3A : memref<!tpu.dma_semaphore, #tpu.memory_space<semaphore_mem>>) src(%dma_wait3A_627 : memref<63x4x128xf32, #tpu.memory_space<hbm>>) dst(%dma_wait3A_624 : memref<63x4x128xf32, #tpu.memory_space<vmem_shared>>)
      tpu.yield
    }) : () -> ()
    %barrier3A = arith.constant 0 : index
    tpu.barrier barrier_id(%barrier3A)
    %dma_wait3A = arith.constant 0 : i32
    %dma_wait3A_43 = arith.constant 0 : i32
    %dma_wait3A_44 = arith.constant 0 : i32
    %dma_wait3A_45 = arith.constant 0 : i32
    %dma_wait3A_46 = arith.constant 0 : i32
    %dma_wait3A_47 = arith.constant 0 : i32
    %dma_wait3A_48 = tpu.memref_slice %arg6[%dma_wait3A_43, %dma_wait3A_45, %dma_wait3A_46, %dma_wait3A_47] : memref<2x64x4x128xf32, #tpu.memory_space<vmem>> -> memref<1x64x4x128xf32, #tpu.memory_space<vmem>>
    %dma_wait3A_49 = tpu.memref_squeeze %dma_wait3A_48 : memref<1x64x4x128xf32, #tpu.memory_space<vmem>> -> memref<64x4x128xf32, #tpu.memory_space<vmem>>
    %dma_wait3A_50 = arith.constant 0 : i32
    %dma_wait3A_51 = tpu.memref_slice %arg5[%dma_wait3A, %dma_wait3A_50] : memref<4x128xi32, #tpu.memory_space<vmem>> -> memref<1x64xi32, #tpu.memory_space<vmem>>
    %dma_wait3A_52 = tpu.memref_squeeze %dma_wait3A_51 : memref<1x64xi32, #tpu.memory_space<vmem>> -> memref<64xi32, #tpu.memory_space<vmem>>
    %dma_wait3A_53 = arith.constant 0 : i32
    %dma_wait3A_54 = arith.constant 0 : i32
    %dma_wait3A_55 = arith.constant 0 : i32
    %dma_wait3A_56 = tpu.memref_slice %arg3[%dma_wait3A_53, %dma_wait3A_54, %dma_wait3A_55] : memref<1000x4x128xf32, #tpu.memory_space<hbm>> -> memref<1000x4x128xf32, #tpu.memory_space<hbm>>
    %dma_wait3A_57 = tpu.memref_slice %arg8[%dma_wait3A_44] : memref<2x!tpu.dma_semaphore, #tpu.memory_space<semaphore_mem>> -> memref<1x!tpu.dma_semaphore, #tpu.memory_space<semaphore_mem>>
    %dma_wait3A_58 = tpu.memref_squeeze %dma_wait3A_57 : memref<1x!tpu.dma_semaphore, #tpu.memory_space<semaphore_mem>> -> memref<!tpu.dma_semaphore, #tpu.memory_space<semaphore_mem>>
    tpu.wait_indirect_dma semaphore(%dma_wait3A_58 : memref<!tpu.dma_semaphore, #tpu.memory_space<semaphore_mem>>) src(%dma_wait3A_56 : memref<1000x4x128xf32, #tpu.memory_space<hbm>>) dst(%dma_wait3A_49 : memref<64x4x128xf32, #tpu.memory_space<vmem>>)
    %add3A_59 = arith.constant 0 : i32
    %add3A_60 = arith.addi %multiple_of3A, %add3A_59 : i32
    %dma_start3A_61 = arith.constant 0 : i32
    %dma_start3A_62 = arith.constant 0 : i32
    %dma_start3A_63 = arith.constant 0 : i32
    %dma_start3A_64 = arith.constant 0 : i32
    %dma_start3A_65 = arith.constant 0 : i32
    %dma_start3A_66 = tpu.memref_slice %arg6[%dma_start3A_61, %dma_start3A_63, %dma_start3A_64, %dma_start3A_65] : memref<2x64x4x128xf32, #tpu.memory_space<vmem>> -> memref<1x64x4x128xf32, #tpu.memory_space<vmem>>
    %dma_start3A_67 = tpu.memref_squeeze %dma_start3A_66 : memref<1x64x4x128xf32, #tpu.memory_space<vmem>> -> memref<64x4x128xf32, #tpu.memory_space<vmem>>
    %dma_start3A_68 = tpu.memref_reshape %dma_start3A_67 : memref<64x4x128xf32, #tpu.memory_space<vmem>> -> memref<256x128xf32, #tpu.memory_space<vmem>>
    %dma_start3A_69 = arith.constant 0 : i32
    %dma_start3A_70 = tpu.memref_slice %arg4[%add3A_60, %dma_start3A_69] : memref<65536x128xf32, #tpu.memory_space<hbm>> -> memref<256x128xf32, #tpu.memory_space<hbm>>
    %dma_start3A_71 = tpu.memref_slice %arg9[%dma_start3A_62] : memref<2x!tpu.dma_semaphore, #tpu.memory_space<semaphore_mem>> -> memref<1x!tpu.dma_semaphore, #tpu.memory_space<semaphore_mem>>
    %dma_start3A_72 = tpu.memref_squeeze %dma_start3A_71 : memref<1x!tpu.dma_semaphore, #tpu.memory_space<semaphore_mem>> -> memref<!tpu.dma_semaphore, #tpu.memory_space<semaphore_mem>>
    %dma_start3A_73 = arith.constant 0 : i32
    %dma_start3A_74 = tpu.memref_slice %arg4[%add3A_60, %dma_start3A_73] : memref<65536x128xf32, #tpu.memory_space<hbm>> -> memref<256x128xf32, #tpu.memory_space<hbm>>
    %dma_start3A_75 = arith.constant 0 : i32
    %dma_start3A_76 = arith.constant 0 : i32
    %dma_start3A_77 = arith.constant 0 : i32
    %dma_start3A_78 = tpu.memref_slice %arg6[%dma_start3A_61, %dma_start3A_75, %dma_start3A_76, %dma_start3A_77] : memref<2x64x4x128xf32, #tpu.memory_space<vmem>> -> memref<1x64x4x128xf32, #tpu.memory_space<vmem>>
    %dma_start3A_79 = tpu.memref_squeeze %dma_start3A_78 : memref<1x64x4x128xf32, #tpu.memory_space<vmem>> -> memref<64x4x128xf32, #tpu.memory_space<vmem>>
    %dma_start3A_80 = tpu.memref_reshape %dma_start3A_79 : memref<64x4x128xf32, #tpu.memory_space<vmem>> -> memref<256x128xf32, #tpu.memory_space<vmem>>
    tpu.enqueue_dma source(%dma_start3A_80 : memref<256x128xf32, #tpu.memory_space<vmem>>) target(%dma_start3A_74 : memref<256x128xf32, #tpu.memory_space<hbm>>) target_semaphore(%dma_start3A_72 : memref<!tpu.dma_semaphore, #tpu.memory_space<semaphore_mem>>)
    %dma_wait3A_81 = arith.constant 0 : i32
    %dma_wait3A_82 = arith.constant 0 : i32
    %dma_wait3A_83 = arith.constant 0 : i32
    %dma_wait3A_84 = arith.constant 0 : i32
    %dma_wait3A_85 = arith.constant 0 : i32
    %dma_wait3A_86 = tpu.memref_slice %arg6[%dma_wait3A_81, %dma_wait3A_83, %dma_wait3A_84, %dma_wait3A_85] : memref<2x64x4x128xf32, #tpu.memory_space<vmem>> -> memref<1x64x4x128xf32, #tpu.memory_space<vmem>>
    %dma_wait3A_87 = tpu.memref_squeeze %dma_wait3A_86 : memref<1x64x4x128xf32, #tpu.memory_space<vmem>> -> memref<64x4x128xf32, #tpu.memory_space<vmem>>
    %dma_wait3A_88 = tpu.memref_reshape %dma_wait3A_87 : memref<64x4x128xf32, #tpu.memory_space<vmem>> -> memref<256x128xf32, #tpu.memory_space<vmem>>
    %dma_wait3A_89 = arith.constant 0 : i32
    %dma_wait3A_90 = tpu.memref_slice %arg4[%add3A_60, %dma_wait3A_89] : memref<65536x128xf32, #tpu.memory_space<hbm>> -> memref<256x128xf32, #tpu.memory_space<hbm>>
    %dma_wait3A_91 = tpu.memref_slice %arg9[%dma_wait3A_82] : memref<2x!tpu.dma_semaphore, #tpu.memory_space<semaphore_mem>> -> memref<1x!tpu.dma_semaphore, #tpu.memory_space<semaphore_mem>>
    %dma_wait3A_92 = tpu.memref_squeeze %dma_wait3A_91 : memref<1x!tpu.dma_semaphore, #tpu.memory_space<semaphore_mem>> -> memref<!tpu.dma_semaphore, #tpu.memory_space<semaphore_mem>>
    %dma_wait3A_93 = arith.constant 0 : i32
    %dma_wait3A_94 = tpu.memref_slice %arg4[%add3A_60, %dma_wait3A_93] : memref<65536x128xf32, #tpu.memory_space<hbm>> -> memref<256x128xf32, #tpu.memory_space<hbm>>
    %dma_wait3A_95 = arith.constant 0 : i32
    %dma_wait3A_96 = arith.constant 0 : i32
    %dma_wait3A_97 = arith.constant 0 : i32
    %dma_wait3A_98 = tpu.memref_slice %arg6[%dma_wait3A_81, %dma_wait3A_95, %dma_wait3A_96, %dma_wait3A_97] : memref<2x64x4x128xf32, #tpu.memory_space<vmem>> -> memref<1x64x4x128xf32, #tpu.memory_space<vmem>>
    %dma_wait3A_99 = tpu.memref_squeeze %dma_wait3A_98 : memref<1x64x4x128xf32, #tpu.memory_space<vmem>> -> memref<64x4x128xf32, #tpu.memory_space<vmem>>
    %dma_wait3A_100 = tpu.memref_reshape %dma_wait3A_99 : memref<64x4x128xf32, #tpu.memory_space<vmem>> -> memref<256x128xf32, #tpu.memory_space<vmem>>
    tpu.wait_dma2 semaphore(%dma_wait3A_92 : memref<!tpu.dma_semaphore, #tpu.memory_space<semaphore_mem>>) src(%dma_wait3A_100 : memref<256x128xf32, #tpu.memory_space<vmem>>) dst(%dma_wait3A_94 : memref<256x128xf32, #tpu.memory_space<hbm>>)
    %dma_start3A_101 = arith.constant 1 : i32
    %dma_start3A_102 = arith.constant 0 : i32
    %dma_start3A_103 = arith.constant 0 : i32
    %dma_start3A_104 = arith.constant 0 : i32
    %dma_start3A_105 = arith.constant 0 : i32
    %dma_start3A_106 = arith.constant 0 : i32
    %dma_start3A_107 = tpu.memref_slice %arg6[%dma_start3A_102, %dma_start3A_104, %dma_start3A_105, %dma_start3A_106] : memref<2x64x4x128xf32, #tpu.memory_space<vmem>> -> memref<1x64x4x128xf32, #tpu.memory_space<vmem>>
    %dma_start3A_108 = tpu.memref_squeeze %dma_start3A_107 : memref<1x64x4x128xf32, #tpu.memory_space<vmem>> -> memref<64x4x128xf32, #tpu.memory_space<vmem>>
    %dma_start3A_109 = arith.constant 0 : i32
    %dma_start3A_110 = tpu.memref_slice %arg5[%dma_start3A_101, %dma_start3A_109] : memref<4x128xi32, #tpu.memory_space<vmem>> -> memref<1x64xi32, #tpu.memory_space<vmem>>
    %dma_start3A_111 = tpu.memref_squeeze %dma_start3A_110 : memref<1x64xi32, #tpu.memory_space<vmem>> -> memref<64xi32, #tpu.memory_space<vmem>>
    %dma_start3A_112 = arith.constant 0 : i32
    %dma_start3A_113 = arith.constant 0 : i32
    %dma_start3A_114 = arith.constant 0 : i32
    %dma_start3A_115 = tpu.memref_slice %arg7[%dma_start3A_112, %dma_start3A_113, %dma_start3A_114] : memref<1000x4x128xf32, #tpu.memory_space<vmem_shared>> -> memref<1000x4x128xf32, #tpu.memory_space<vmem_shared>>
    %dma_start3A_116 = tpu.memref_slice %arg8[%dma_start3A_103] : memref<2x!tpu.dma_semaphore, #tpu.memory_space<semaphore_mem>> -> memref<1x!tpu.dma_semaphore, #tpu.memory_space<semaphore_mem>>
    %dma_start3A_117 = tpu.memref_squeeze %dma_start3A_116 : memref<1x!tpu.dma_semaphore, #tpu.memory_space<semaphore_mem>> -> memref<!tpu.dma_semaphore, #tpu.memory_space<semaphore_mem>>
    tpu.enqueue_indirect_dma source(%dma_start3A_115 : memref<1000x4x128xf32, #tpu.memory_space<vmem_shared>>) target(%dma_start3A_108 : memref<64x4x128xf32, #tpu.memory_space<vmem>>) offsets(%dma_start3A_111 : memref<64xi32, #tpu.memory_space<vmem>>) semaphore(%dma_start3A_117 : memref<!tpu.dma_semaphore, #tpu.memory_space<semaphore_mem>>)
    %dma_wait3A_118 = arith.constant 0 : i32
    %dma_wait3A_119 = arith.constant 1 : i32
    %dma_wait3A_120 = arith.constant 1 : i32
    %dma_wait3A_121 = arith.constant 0 : i32
    %dma_wait3A_122 = arith.constant 0 : i32
    %dma_wait3A_123 = arith.constant 0 : i32
    %dma_wait3A_124 = tpu.memref_slice %arg6[%dma_wait3A_119, %dma_wait3A_121, %dma_wait3A_122, %dma_wait3A_123] : memref<2x64x4x128xf32, #tpu.memory_space<vmem>> -> memref<1x64x4x128xf32, #tpu.memory_space<vmem>>
    %dma_wait3A_125 = tpu.memref_squeeze %dma_wait3A_124 : memref<1x64x4x128xf32, #tpu.memory_space<vmem>> -> memref<64x4x128xf32, #tpu.memory_space<vmem>>
    %dma_wait3A_126 = arith.constant 64 : i32
    %dma_wait3A_127 = tpu.memref_slice %arg5[%dma_wait3A_118, %dma_wait3A_126] : memref<4x128xi32, #tpu.memory_space<vmem>> -> memref<1x64xi32, #tpu.memory_space<vmem>>
    %dma_wait3A_128 = tpu.memref_squeeze %dma_wait3A_127 : memref<1x64xi32, #tpu.memory_space<vmem>> -> memref<64xi32, #tpu.memory_space<vmem>>
    %dma_wait3A_129 = arith.constant 0 : i32
    %dma_wait3A_130 = arith.constant 0 : i32
    %dma_wait3A_131 = arith.constant 0 : i32
    %dma_wait3A_132 = tpu.memref_slice %arg3[%dma_wait3A_129, %dma_wait3A_130, %dma_wait3A_131] : memref<1000x4x128xf32, #tpu.memory_space<hbm>> -> memref<1000x4x128xf32, #tpu.memory_space<hbm>>
    %dma_wait3A_133 = tpu.memref_slice %arg8[%dma_wait3A_120] : memref<2x!tpu.dma_semaphore, #tpu.memory_space<semaphore_mem>> -> memref<1x!tpu.dma_semaphore, #tpu.memory_space<semaphore_mem>>
    %dma_wait3A_134 = tpu.memref_squeeze %dma_wait3A_133 : memref<1x!tpu.dma_semaphore, #tpu.memory_space<semaphore_mem>> -> memref<!tpu.dma_semaphore, #tpu.memory_space<semaphore_mem>>
    tpu.wait_indirect_dma semaphore(%dma_wait3A_134 : memref<!tpu.dma_semaphore, #tpu.memory_space<semaphore_mem>>) src(%dma_wait3A_132 : memref<1000x4x128xf32, #tpu.memory_space<hbm>>) dst(%dma_wait3A_125 : memref<64x4x128xf32, #tpu.memory_space<vmem>>)
    %add3A_135 = arith.constant 256 : i32
    %add3A_136 = arith.addi %multiple_of3A, %add3A_135 : i32
    %dma_start3A_137 = arith.constant 1 : i32
    %dma_start3A_138 = arith.constant 1 : i32
    %dma_start3A_139 = arith.constant 0 : i32
    %dma_start3A_140 = arith.constant 0 : i32
    %dma_start3A_141 = arith.constant 0 : i32
    %dma_start3A_142 = tpu.memref_slice %arg6[%dma_start3A_137, %dma_start3A_139, %dma_start3A_140, %dma_start3A_141] : memref<2x64x4x128xf32, #tpu.memory_space<vmem>> -> memref<1x64x4x128xf32, #tpu.memory_space<vmem>>
    %dma_start3A_143 = tpu.memref_squeeze %dma_start3A_142 : memref<1x64x4x128xf32, #tpu.memory_space<vmem>> -> memref<64x4x128xf32, #tpu.memory_space<vmem>>
    %dma_start3A_144 = tpu.memref_reshape %dma_start3A_143 : memref<64x4x128xf32, #tpu.memory_space<vmem>> -> memref<256x128xf32, #tpu.memory_space<vmem>>
    %dma_start3A_145 = arith.constant 0 : i32
    %dma_start3A_146 = tpu.memref_slice %arg4[%add3A_136, %dma_start3A_145] : memref<65536x128xf32, #tpu.memory_space<hbm>> -> memref<256x128xf32, #tpu.memory_space<hbm>>
    %dma_start3A_147 = tpu.memref_slice %arg9[%dma_start3A_138] : memref<2x!tpu.dma_semaphore, #tpu.memory_space<semaphore_mem>> -> memref<1x!tpu.dma_semaphore, #tpu.memory_space<semaphore_mem>>
    %dma_start3A_148 = tpu.memref_squeeze %dma_start3A_147 : memref<1x!tpu.dma_semaphore, #tpu.memory_space<semaphore_mem>> -> memref<!tpu.dma_semaphore, #tpu.memory_space<semaphore_mem>>
    %dma_start3A_149 = arith.constant 0 : i32
    %dma_start3A_150 = tpu.memref_slice %arg4[%add3A_136, %dma_start3A_149] : memref<65536x128xf32, #tpu.memory_space<hbm>> -> memref<256x128xf32, #tpu.memory_space<hbm>>
    %dma_start3A_151 = arith.constant 0 : i32
    %dma_start3A_152 = arith.constant 0 : i32
    %dma_start3A_153 = arith.constant 0 : i32
    %dma_start3A_154 = tpu.memref_slice %arg6[%dma_start3A_137, %dma_start3A_151, %dma_start3A_152, %dma_start3A_153] : memref<2x64x4x128xf32, #tpu.memory_space<vmem>> -> memref<1x64x4x128xf32, #tpu.memory_space<vmem>>
    %dma_start3A_155 = tpu.memref_squeeze %dma_start3A_154 : memref<1x64x4x128xf32, #tpu.memory_space<vmem>> -> memref<64x4x128xf32, #tpu.memory_space<vmem>>
    %dma_start3A_156 = tpu.memref_reshape %dma_start3A_155 : memref<64x4x128xf32, #tpu.memory_space<vmem>> -> memref<256x128xf32, #tpu.memory_space<vmem>>
    tpu.enqueue_dma source(%dma_start3A_156 : memref<256x128xf32, #tpu.memory_space<vmem>>) target(%dma_start3A_150 : memref<256x128xf32, #tpu.memory_space<hbm>>) target_semaphore(%dma_start3A_148 : memref<!tpu.dma_semaphore, #tpu.memory_space<semaphore_mem>>)
    %dma_wait3A_157 = arith.constant 1 : i32
    %dma_wait3A_158 = arith.constant 1 : i32
    %dma_wait3A_159 = arith.constant 0 : i32
    %dma_wait3A_160 = arith.constant 0 : i32
    %dma_wait3A_161 = arith.constant 0 : i32
    %dma_wait3A_162 = tpu.memref_slice %arg6[%dma_wait3A_157, %dma_wait3A_159, %dma_wait3A_160, %dma_wait3A_161] : memref<2x64x4x128xf32, #tpu.memory_space<vmem>> -> memref<1x64x4x128xf32, #tpu.memory_space<vmem>>
    %dma_wait3A_163 = tpu.memref_squeeze %dma_wait3A_162 : memref<1x64x4x128xf32, #tpu.memory_space<vmem>> -> memref<64x4x128xf32, #tpu.memory_space<vmem>>
    %dma_wait3A_164 = tpu.memref_reshape %dma_wait3A_163 : memref<64x4x128xf32, #tpu.memory_space<vmem>> -> memref<256x128xf32, #tpu.memory_space<vmem>>
    %dma_wait3A_165 = arith.constant 0 : i32
    %dma_wait3A_166 = tpu.memref_slice %arg4[%add3A_136, %dma_wait3A_165] : memref<65536x128xf32, #tpu.memory_space<hbm>> -> memref<256x128xf32, #tpu.memory_space<hbm>>
    %dma_wait3A_167 = tpu.memref_slice %arg9[%dma_wait3A_158] : memref<2x!tpu.dma_semaphore, #tpu.memory_space<semaphore_mem>> -> memref<1x!tpu.dma_semaphore, #tpu.memory_space<semaphore_mem>>
    %dma_wait3A_168 = tpu.memref_squeeze %dma_wait3A_167 : memref<1x!tpu.dma_semaphore, #tpu.memory_space<semaphore_mem>> -> memref<!tpu.dma_semaphore, #tpu.memory_space<semaphore_mem>>
    %dma_wait3A_169 = arith.constant 0 : i32
    %dma_wait3A_170 = tpu.memref_slice %arg4[%add3A_136, %dma_wait3A_169] : memref<65536x128xf32, #tpu.memory_space<hbm>> -> memref<256x128xf32, #tpu.memory_space<hbm>>
    %dma_wait3A_171 = arith.constant 0 : i32
    %dma_wait3A_172 = arith.constant 0 : i32
    %dma_wait3A_173 = arith.constant 0 : i32
    %dma_wait3A_174 = tpu.memref_slice %arg6[%dma_wait3A_157, %dma_wait3A_171, %dma_wait3A_172, %dma_wait3A_173] : memref<2x64x4x128xf32, #tpu.memory_space<vmem>> -> memref<1x64x4x128xf32, #tpu.memory_space<vmem>>
    %dma_wait3A_175 = tpu.memref_squeeze %dma_wait3A_174 : memref<1x64x4x128xf32, #tpu.memory_space<vmem>> -> memref<64x4x128xf32, #tpu.memory_space<vmem>>
    %dma_wait3A_176 = tpu.memref_reshape %dma_wait3A_175 : memref<64x4x128xf32, #tpu.memory_space<vmem>> -> memref<256x128xf32, #tpu.memory_space<vmem>>
    tpu.wait_dma2 semaphore(%dma_wait3A_168 : memref<!tpu.dma_semaphore, #tpu.memory_space<semaphore_mem>>) src(%dma_wait3A_176 : memref<256x128xf32, #tpu.memory_space<vmem>>) dst(%dma_wait3A_170 : memref<256x128xf32, #tpu.memory_space<hbm>>)
    %dma_start3A_177 = arith.constant 1 : i32
    %dma_start3A_178 = arith.constant 1 : i32
    %dma_start3A_179 = arith.constant 1 : i32
    %dma_start3A_180 = arith.constant 0 : i32
    %dma_start3A_181 = arith.constant 0 : i32
    %dma_start3A_182 = arith.constant 0 : i32
    %dma_start3A_183 = tpu.memref_slice %arg6[%dma_start3A_178, %dma_start3A_180, %dma_start3A_181, %dma_start3A_182] : memref<2x64x4x128xf32, #tpu.memory_space<vmem>> -> memref<1x64x4x128xf32, #tpu.memory_space<vmem>>
    %dma_start3A_184 = tpu.memref_squeeze %dma_start3A_183 : memref<1x64x4x128xf32, #tpu.memory_space<vmem>> -> memref<64x4x128xf32, #tpu.memory_space<vmem>>
    %dma_start3A_185 = arith.constant 64 : i32
    %dma_start3A_186 = tpu.memref_slice %arg5[%dma_start3A_177, %dma_start3A_185] : memref<4x128xi32, #tpu.memory_space<vmem>> -> memref<1x64xi32, #tpu.memory_space<vmem>>
    %dma_start3A_187 = tpu.memref_squeeze %dma_start3A_186 : memref<1x64xi32, #tpu.memory_space<vmem>> -> memref<64xi32, #tpu.memory_space<vmem>>
    %dma_start3A_188 = arith.constant 0 : i32
    %dma_start3A_189 = arith.constant 0 : i32
    %dma_start3A_190 = arith.constant 0 : i32
    %dma_start3A_191 = tpu.memref_slice %arg7[%dma_start3A_188, %dma_start3A_189, %dma_start3A_190] : memref<1000x4x128xf32, #tpu.memory_space<vmem_shared>> -> memref<1000x4x128xf32, #tpu.memory_space<vmem_shared>>
    %dma_start3A_192 = tpu.memref_slice %arg8[%dma_start3A_179] : memref<2x!tpu.dma_semaphore, #tpu.memory_space<semaphore_mem>> -> memref<1x!tpu.dma_semaphore, #tpu.memory_space<semaphore_mem>>
    %dma_start3A_193 = tpu.memref_squeeze %dma_start3A_192 : memref<1x!tpu.dma_semaphore, #tpu.memory_space<semaphore_mem>> -> memref<!tpu.dma_semaphore, #tpu.memory_space<semaphore_mem>>
    tpu.enqueue_indirect_dma source(%dma_start3A_191 : memref<1000x4x128xf32, #tpu.memory_space<vmem_shared>>) target(%dma_start3A_184 : memref<64x4x128xf32, #tpu.memory_space<vmem>>) offsets(%dma_start3A_187 : memref<64xi32, #tpu.memory_space<vmem>>) semaphore(%dma_start3A_193 : memref<!tpu.dma_semaphore, #tpu.memory_space<semaphore_mem>>)
    %dma_wait3A_194 = arith.constant 1 : i32
    %dma_wait3A_195 = arith.constant 0 : i32
    %dma_wait3A_196 = arith.constant 0 : i32
    %dma_wait3A_197 = arith.constant 0 : i32
    %dma_wait3A_198 = arith.constant 0 : i32
    %dma_wait3A_199 = arith.constant 0 : i32
    %dma_wait3A_200 = tpu.memref_slice %arg6[%dma_wait3A_195, %dma_wait3A_197, %dma_wait3A_198, %dma_wait3A_199] : memref<2x64x4x128xf32, #tpu.memory_space<vmem>> -> memref<1x64x4x128xf32, #tpu.memory_space<vmem>>
    %dma_wait3A_201 = tpu.memref_squeeze %dma_wait3A_200 : memref<1x64x4x128xf32, #tpu.memory_space<vmem>> -> memref<64x4x128xf32, #tpu.memory_space<vmem>>
    %dma_wait3A_202 = arith.constant 0 : i32
    %dma_wait3A_203 = tpu.memref_slice %arg5[%dma_wait3A_194, %dma_wait3A_202] : memref<4x128xi32, #tpu.memory_space<vmem>> -> memref<1x64xi32, #tpu.memory_space<vmem>>
    %dma_wait3A_204 = tpu.memref_squeeze %dma_wait3A_203 : memref<1x64xi32, #tpu.memory_space<vmem>> -> memref<64xi32, #tpu.memory_space<vmem>>
    %dma_wait3A_205 = arith.constant 0 : i32
    %dma_wait3A_206 = arith.constant 0 : i32
    %dma_wait3A_207 = arith.constant 0 : i32
    %dma_wait3A_208 = tpu.memref_slice %arg7[%dma_wait3A_205, %dma_wait3A_206, %dma_wait3A_207] : memref<1000x4x128xf32, #tpu.memory_space<vmem_shared>> -> memref<1000x4x128xf32, #tpu.memory_space<vmem_shared>>
    %dma_wait3A_209 = tpu.memref_slice %arg8[%dma_wait3A_196] : memref<2x!tpu.dma_semaphore, #tpu.memory_space<semaphore_mem>> -> memref<1x!tpu.dma_semaphore, #tpu.memory_space<semaphore_mem>>
    %dma_wait3A_210 = tpu.memref_squeeze %dma_wait3A_209 : memref<1x!tpu.dma_semaphore, #tpu.memory_space<semaphore_mem>> -> memref<!tpu.dma_semaphore, #tpu.memory_space<semaphore_mem>>
    tpu.wait_indirect_dma semaphore(%dma_wait3A_210 : memref<!tpu.dma_semaphore, #tpu.memory_space<semaphore_mem>>) src(%dma_wait3A_208 : memref<1000x4x128xf32, #tpu.memory_space<vmem_shared>>) dst(%dma_wait3A_201 : memref<64x4x128xf32, #tpu.memory_space<vmem>>)
    %add3A_211 = arith.constant 512 : i32
    %add3A_212 = arith.addi %multiple_of3A, %add3A_211 : i32
    %dma_start3A_213 = arith.constant 0 : i32
    %dma_start3A_214 = arith.constant 0 : i32
    %dma_start3A_215 = arith.constant 0 : i32
    %dma_start3A_216 = arith.constant 0 : i32
    %dma_start3A_217 = arith.constant 0 : i32
    %dma_start3A_218 = tpu.memref_slice %arg6[%dma_start3A_213, %dma_start3A_215, %dma_start3A_216, %dma_start3A_217] : memref<2x64x4x128xf32, #tpu.memory_space<vmem>> -> memref<1x64x4x128xf32, #tpu.memory_space<vmem>>
    %dma_start3A_219 = tpu.memref_squeeze %dma_start3A_218 : memref<1x64x4x128xf32, #tpu.memory_space<vmem>> -> memref<64x4x128xf32, #tpu.memory_space<vmem>>
    %dma_start3A_220 = tpu.memref_reshape %dma_start3A_219 : memref<64x4x128xf32, #tpu.memory_space<vmem>> -> memref<256x128xf32, #tpu.memory_space<vmem>>
    %dma_start3A_221 = arith.constant 0 : i32
    %dma_start3A_222 = tpu.memref_slice %arg4[%add3A_212, %dma_start3A_221] : memref<65536x128xf32, #tpu.memory_space<hbm>> -> memref<256x128xf32, #tpu.memory_space<hbm>>
    %dma_start3A_223 = tpu.memref_slice %arg9[%dma_start3A_214] : memref<2x!tpu.dma_semaphore, #tpu.memory_space<semaphore_mem>> -> memref<1x!tpu.dma_semaphore, #tpu.memory_space<semaphore_mem>>
    %dma_start3A_224 = tpu.memref_squeeze %dma_start3A_223 : memref<1x!tpu.dma_semaphore, #tpu.memory_space<semaphore_mem>> -> memref<!tpu.dma_semaphore, #tpu.memory_space<semaphore_mem>>
    %dma_start3A_225 = arith.constant 0 : i32
    %dma_start3A_226 = tpu.memref_slice %arg4[%add3A_212, %dma_start3A_225] : memref<65536x128xf32, #tpu.memory_space<hbm>> -> memref<256x128xf32, #tpu.memory_space<hbm>>
    %dma_start3A_227 = arith.constant 0 : i32
    %dma_start3A_228 = arith.constant 0 : i32
    %dma_start3A_229 = arith.constant 0 : i32
    %dma_start3A_230 = tpu.memref_slice %arg6[%dma_start3A_213, %dma_start3A_227, %dma_start3A_228, %dma_start3A_229] : memref<2x64x4x128xf32, #tpu.memory_space<vmem>> -> memref<1x64x4x128xf32, #tpu.memory_space<vmem>>
    %dma_start3A_231 = tpu.memref_squeeze %dma_start3A_230 : memref<1x64x4x128xf32, #tpu.memory_space<vmem>> -> memref<64x4x128xf32, #tpu.memory_space<vmem>>
    %dma_start3A_232 = tpu.memref_reshape %dma_start3A_231 : memref<64x4x128xf32, #tpu.memory_space<vmem>> -> memref<256x128xf32, #tpu.memory_space<vmem>>
    tpu.enqueue_dma source(%dma_start3A_232 : memref<256x128xf32, #tpu.memory_space<vmem>>) target(%dma_start3A_226 : memref<256x128xf32, #tpu.memory_space<hbm>>) target_semaphore(%dma_start3A_224 : memref<!tpu.dma_semaphore, #tpu.memory_space<semaphore_mem>>)
    %dma_wait3A_233 = arith.constant 0 : i32
    %dma_wait3A_234 = arith.constant 0 : i32
    %dma_wait3A_235 = arith.constant 0 : i32
    %dma_wait3A_236 = arith.constant 0 : i32
    %dma_wait3A_237 = arith.constant 0 : i32
    %dma_wait3A_238 = tpu.memref_slice %arg6[%dma_wait3A_233, %dma_wait3A_235, %dma_wait3A_236, %dma_wait3A_237] : memref<2x64x4x128xf32, #tpu.memory_space<vmem>> -> memref<1x64x4x128xf32, #tpu.memory_space<vmem>>
    %dma_wait3A_239 = tpu.memref_squeeze %dma_wait3A_238 : memref<1x64x4x128xf32, #tpu.memory_space<vmem>> -> memref<64x4x128xf32, #tpu.memory_space<vmem>>
    %dma_wait3A_240 = tpu.memref_reshape %dma_wait3A_239 : memref<64x4x128xf32, #tpu.memory_space<vmem>> -> memref<256x128xf32, #tpu.memory_space<vmem>>
    %dma_wait3A_241 = arith.constant 0 : i32
    %dma_wait3A_242 = tpu.memref_slice %arg4[%add3A_212, %dma_wait3A_241] : memref<65536x128xf32, #tpu.memory_space<hbm>> -> memref<256x128xf32, #tpu.memory_space<hbm>>
    %dma_wait3A_243 = tpu.memref_slice %arg9[%dma_wait3A_234] : memref<2x!tpu.dma_semaphore, #tpu.memory_space<semaphore_mem>> -> memref<1x!tpu.dma_semaphore, #tpu.memory_space<semaphore_mem>>
    %dma_wait3A_244 = tpu.memref_squeeze %dma_wait3A_243 : memref<1x!tpu.dma_semaphore, #tpu.memory_space<semaphore_mem>> -> memref<!tpu.dma_semaphore, #tpu.memory_space<semaphore_mem>>
    %dma_wait3A_245 = arith.constant 0 : i32
    %dma_wait3A_246 = tpu.memref_slice %arg4[%add3A_212, %dma_wait3A_245] : memref<65536x128xf32, #tpu.memory_space<hbm>> -> memref<256x128xf32, #tpu.memory_space<hbm>>
    %dma_wait3A_247 = arith.constant 0 : i32
    %dma_wait3A_248 = arith.constant 0 : i32
    %dma_wait3A_249 = arith.constant 0 : i32
    %dma_wait3A_250 = tpu.memref_slice %arg6[%dma_wait3A_233, %dma_wait3A_247, %dma_wait3A_248, %dma_wait3A_249] : memref<2x64x4x128xf32, #tpu.memory_space<vmem>> -> memref<1x64x4x128xf32, #tpu.memory_space<vmem>>
    %dma_wait3A_251 = tpu.memref_squeeze %dma_wait3A_250 : memref<1x64x4x128xf32, #tpu.memory_space<vmem>> -> memref<64x4x128xf32, #tpu.memory_space<vmem>>
    %dma_wait3A_252 = tpu.memref_reshape %dma_wait3A_251 : memref<64x4x128xf32, #tpu.memory_space<vmem>> -> memref<256x128xf32, #tpu.memory_space<vmem>>
    tpu.wait_dma2 semaphore(%dma_wait3A_244 : memref<!tpu.dma_semaphore, #tpu.memory_space<semaphore_mem>>) src(%dma_wait3A_252 : memref<256x128xf32, #tpu.memory_space<vmem>>) dst(%dma_wait3A_246 : memref<256x128xf32, #tpu.memory_space<hbm>>)
    %dma_start3A_253 = arith.constant 2 : i32
    %dma_start3A_254 = arith.constant 0 : i32
    %dma_start3A_255 = arith.constant 0 : i32
    %dma_start3A_256 = arith.constant 0 : i32
    %dma_start3A_257 = arith.constant 0 : i32
    %dma_start3A_258 = arith.constant 0 : i32
    %dma_start3A_259 = tpu.memref_slice %arg6[%dma_start3A_254, %dma_start3A_256, %dma_start3A_257, %dma_start3A_258] : memref<2x64x4x128xf32, #tpu.memory_space<vmem>> -> memref<1x64x4x128xf32, #tpu.memory_space<vmem>>
    %dma_start3A_260 = tpu.memref_squeeze %dma_start3A_259 : memref<1x64x4x128xf32, #tpu.memory_space<vmem>> -> memref<64x4x128xf32, #tpu.memory_space<vmem>>
    %dma_start3A_261 = arith.constant 0 : i32
    %dma_start3A_262 = tpu.memref_slice %arg5[%dma_start3A_253, %dma_start3A_261] : memref<4x128xi32, #tpu.memory_space<vmem>> -> memref<1x64xi32, #tpu.memory_space<vmem>>
    %dma_start3A_263 = tpu.memref_squeeze %dma_start3A_262 : memref<1x64xi32, #tpu.memory_space<vmem>> -> memref<64xi32, #tpu.memory_space<vmem>>
    %dma_start3A_264 = arith.constant 0 : i32
    %dma_start3A_265 = arith.constant 0 : i32
    %dma_start3A_266 = arith.constant 0 : i32
    %dma_start3A_267 = tpu.memref_slice %arg7[%dma_start3A_264, %dma_start3A_265, %dma_start3A_266] : memref<1000x4x128xf32, #tpu.memory_space<vmem_shared>> -> memref<1000x4x128xf32, #tpu.memory_space<vmem_shared>>
    %dma_start3A_268 = tpu.memref_slice %arg8[%dma_start3A_255] : memref<2x!tpu.dma_semaphore, #tpu.memory_space<semaphore_mem>> -> memref<1x!tpu.dma_semaphore, #tpu.memory_space<semaphore_mem>>
    %dma_start3A_269 = tpu.memref_squeeze %dma_start3A_268 : memref<1x!tpu.dma_semaphore, #tpu.memory_space<semaphore_mem>> -> memref<!tpu.dma_semaphore, #tpu.memory_space<semaphore_mem>>
    tpu.enqueue_indirect_dma source(%dma_start3A_267 : memref<1000x4x128xf32, #tpu.memory_space<vmem_shared>>) target(%dma_start3A_260 : memref<64x4x128xf32, #tpu.memory_space<vmem>>) offsets(%dma_start3A_263 : memref<64xi32, #tpu.memory_space<vmem>>) semaphore(%dma_start3A_269 : memref<!tpu.dma_semaphore, #tpu.memory_space<semaphore_mem>>)
    %dma_wait3A_270 = arith.constant 1 : i32
    %dma_wait3A_271 = arith.constant 1 : i32
    %dma_wait3A_272 = arith.constant 1 : i32
    %dma_wait3A_273 = arith.constant 0 : i32
    %dma_wait3A_274 = arith.constant 0 : i32
    %dma_wait3A_275 = arith.constant 0 : i32
    %dma_wait3A_276 = tpu.memref_slice %arg6[%dma_wait3A_271, %dma_wait3A_273, %dma_wait3A_274, %dma_wait3A_275] : memref<2x64x4x128xf32, #tpu.memory_space<vmem>> -> memref<1x64x4x128xf32, #tpu.memory_space<vmem>>
    %dma_wait3A_277 = tpu.memref_squeeze %dma_wait3A_276 : memref<1x64x4x128xf32, #tpu.memory_space<vmem>> -> memref<64x4x128xf32, #tpu.memory_space<vmem>>
    %dma_wait3A_278 = arith.constant 64 : i32
    %dma_wait3A_279 = tpu.memref_slice %arg5[%dma_wait3A_270, %dma_wait3A_278] : memref<4x128xi32, #tpu.memory_space<vmem>> -> memref<1x64xi32, #tpu.memory_space<vmem>>
    %dma_wait3A_280 = tpu.memref_squeeze %dma_wait3A_279 : memref<1x64xi32, #tpu.memory_space<vmem>> -> memref<64xi32, #tpu.memory_space<vmem>>
    %dma_wait3A_281 = arith.constant 0 : i32
    %dma_wait3A_282 = arith.constant 0 : i32
    %dma_wait3A_283 = arith.constant 0 : i32
    %dma_wait3A_284 = tpu.memref_slice %arg7[%dma_wait3A_281, %dma_wait3A_282, %dma_wait3A_283] : memref<1000x4x128xf32, #tpu.memory_space<vmem_shared>> -> memref<1000x4x128xf32, #tpu.memory_space<vmem_shared>>
    %dma_wait3A_285 = tpu.memref_slice %arg8[%dma_wait3A_272] : memref<2x!tpu.dma_semaphore, #tpu.memory_space<semaphore_mem>> -> memref<1x!tpu.dma_semaphore, #tpu.memory_space<semaphore_mem>>
    %dma_wait3A_286 = tpu.memref_squeeze %dma_wait3A_285 : memref<1x!tpu.dma_semaphore, #tpu.memory_space<semaphore_mem>> -> memref<!tpu.dma_semaphore, #tpu.memory_space<semaphore_mem>>
    tpu.wait_indirect_dma semaphore(%dma_wait3A_286 : memref<!tpu.dma_semaphore, #tpu.memory_space<semaphore_mem>>) src(%dma_wait3A_284 : memref<1000x4x128xf32, #tpu.memory_space<vmem_shared>>) dst(%dma_wait3A_277 : memref<64x4x128xf32, #tpu.memory_space<vmem>>)
    %add3A_287 = arith.constant 768 : i32
    %add3A_288 = arith.addi %multiple_of3A, %add3A_287 : i32
    %dma_start3A_289 = arith.constant 1 : i32
    %dma_start3A_290 = arith.constant 1 : i32
    %dma_start3A_291 = arith.constant 0 : i32
    %dma_start3A_292 = arith.constant 0 : i32
    %dma_start3A_293 = arith.constant 0 : i32
    %dma_start3A_294 = tpu.memref_slice %arg6[%dma_start3A_289, %dma_start3A_291, %dma_start3A_292, %dma_start3A_293] : memref<2x64x4x128xf32, #tpu.memory_space<vmem>> -> memref<1x64x4x128xf32, #tpu.memory_space<vmem>>
    %dma_start3A_295 = tpu.memref_squeeze %dma_start3A_294 : memref<1x64x4x128xf32, #tpu.memory_space<vmem>> -> memref<64x4x128xf32, #tpu.memory_space<vmem>>
    %dma_start3A_296 = tpu.memref_reshape %dma_start3A_295 : memref<64x4x128xf32, #tpu.memory_space<vmem>> -> memref<256x128xf32, #tpu.memory_space<vmem>>
    %dma_start3A_297 = arith.constant 0 : i32
    %dma_start3A_298 = tpu.memref_slice %arg4[%add3A_288, %dma_start3A_297] : memref<65536x128xf32, #tpu.memory_space<hbm>> -> memref<256x128xf32, #tpu.memory_space<hbm>>
    %dma_start3A_299 = tpu.memref_slice %arg9[%dma_start3A_290] : memref<2x!tpu.dma_semaphore, #tpu.memory_space<semaphore_mem>> -> memref<1x!tpu.dma_semaphore, #tpu.memory_space<semaphore_mem>>
    %dma_start3A_300 = tpu.memref_squeeze %dma_start3A_299 : memref<1x!tpu.dma_semaphore, #tpu.memory_space<semaphore_mem>> -> memref<!tpu.dma_semaphore, #tpu.memory_space<semaphore_mem>>
    %dma_start3A_301 = arith.constant 0 : i32
    %dma_start3A_302 = tpu.memref_slice %arg4[%add3A_288, %dma_start3A_301] : memref<65536x128xf32, #tpu.memory_space<hbm>> -> memref<256x128xf32, #tpu.memory_space<hbm>>
    %dma_start3A_303 = arith.constant 0 : i32
    %dma_start3A_304 = arith.constant 0 : i32
    %dma_start3A_305 = arith.constant 0 : i32
    %dma_start3A_306 = tpu.memref_slice %arg6[%dma_start3A_289, %dma_start3A_303, %dma_start3A_304, %dma_start3A_305] : memref<2x64x4x128xf32, #tpu.memory_space<vmem>> -> memref<1x64x4x128xf32, #tpu.memory_space<vmem>>
    %dma_start3A_307 = tpu.memref_squeeze %dma_start3A_306 : memref<1x64x4x128xf32, #tpu.memory_space<vmem>> -> memref<64x4x128xf32, #tpu.memory_space<vmem>>
    %dma_start3A_308 = tpu.memref_reshape %dma_start3A_307 : memref<64x4x128xf32, #tpu.memory_space<vmem>> -> memref<256x128xf32, #tpu.memory_space<vmem>>
    tpu.enqueue_dma source(%dma_start3A_308 : memref<256x128xf32, #tpu.memory_space<vmem>>) target(%dma_start3A_302 : memref<256x128xf32, #tpu.memory_space<hbm>>) target_semaphore(%dma_start3A_300 : memref<!tpu.dma_semaphore, #tpu.memory_space<semaphore_mem>>)
    %dma_wait3A_309 = arith.constant 1 : i32
    %dma_wait3A_310 = arith.constant 1 : i32
    %dma_wait3A_311 = arith.constant 0 : i32
    %dma_wait3A_312 = arith.constant 0 : i32
    %dma_wait3A_313 = arith.constant 0 : i32
    %dma_wait3A_314 = tpu.memref_slice %arg6[%dma_wait3A_309, %dma_wait3A_311, %dma_wait3A_312, %dma_wait3A_313] : memref<2x64x4x128xf32, #tpu.memory_space<vmem>> -> memref<1x64x4x128xf32, #tpu.memory_space<vmem>>
    %dma_wait3A_315 = tpu.memref_squeeze %dma_wait3A_314 : memref<1x64x4x128xf32, #tpu.memory_space<vmem>> -> memref<64x4x128xf32, #tpu.memory_space<vmem>>
    %dma_wait3A_316 = tpu.memref_reshape %dma_wait3A_315 : memref<64x4x128xf32, #tpu.memory_space<vmem>> -> memref<256x128xf32, #tpu.memory_space<vmem>>
    %dma_wait3A_317 = arith.constant 0 : i32
    %dma_wait3A_318 = tpu.memref_slice %arg4[%add3A_288, %dma_wait3A_317] : memref<65536x128xf32, #tpu.memory_space<hbm>> -> memref<256x128xf32, #tpu.memory_space<hbm>>
    %dma_wait3A_319 = tpu.memref_slice %arg9[%dma_wait3A_310] : memref<2x!tpu.dma_semaphore, #tpu.memory_space<semaphore_mem>> -> memref<1x!tpu.dma_semaphore, #tpu.memory_space<semaphore_mem>>
    %dma_wait3A_320 = tpu.memref_squeeze %dma_wait3A_319 : memref<1x!tpu.dma_semaphore, #tpu.memory_space<semaphore_mem>> -> memref<!tpu.dma_semaphore, #tpu.memory_space<semaphore_mem>>
    %dma_wait3A_321 = arith.constant 0 : i32
    %dma_wait3A_322 = tpu.memref_slice %arg4[%add3A_288, %dma_wait3A_321] : memref<65536x128xf32, #tpu.memory_space<hbm>> -> memref<256x128xf32, #tpu.memory_space<hbm>>
    %dma_wait3A_323 = arith.constant 0 : i32
    %dma_wait3A_324 = arith.constant 0 : i32
    %dma_wait3A_325 = arith.constant 0 : i32
    %dma_wait3A_326 = tpu.memref_slice %arg6[%dma_wait3A_309, %dma_wait3A_323, %dma_wait3A_324, %dma_wait3A_325] : memref<2x64x4x128xf32, #tpu.memory_space<vmem>> -> memref<1x64x4x128xf32, #tpu.memory_space<vmem>>
    %dma_wait3A_327 = tpu.memref_squeeze %dma_wait3A_326 : memref<1x64x4x128xf32, #tpu.memory_space<vmem>> -> memref<64x4x128xf32, #tpu.memory_space<vmem>>
    %dma_wait3A_328 = tpu.memref_reshape %dma_wait3A_327 : memref<64x4x128xf32, #tpu.memory_space<vmem>> -> memref<256x128xf32, #tpu.memory_space<vmem>>
    tpu.wait_dma2 semaphore(%dma_wait3A_320 : memref<!tpu.dma_semaphore, #tpu.memory_space<semaphore_mem>>) src(%dma_wait3A_328 : memref<256x128xf32, #tpu.memory_space<vmem>>) dst(%dma_wait3A_322 : memref<256x128xf32, #tpu.memory_space<hbm>>)
    %dma_start3A_329 = arith.constant 2 : i32
    %dma_start3A_330 = arith.constant 1 : i32
    %dma_start3A_331 = arith.constant 1 : i32
    %dma_start3A_332 = arith.constant 0 : i32
    %dma_start3A_333 = arith.constant 0 : i32
    %dma_start3A_334 = arith.constant 0 : i32
    %dma_start3A_335 = tpu.memref_slice %arg6[%dma_start3A_330, %dma_start3A_332, %dma_start3A_333, %dma_start3A_334] : memref<2x64x4x128xf32, #tpu.memory_space<vmem>> -> memref<1x64x4x128xf32, #tpu.memory_space<vmem>>
    %dma_start3A_336 = tpu.memref_squeeze %dma_start3A_335 : memref<1x64x4x128xf32, #tpu.memory_space<vmem>> -> memref<64x4x128xf32, #tpu.memory_space<vmem>>
    %dma_start3A_337 = arith.constant 64 : i32
    %dma_start3A_338 = tpu.memref_slice %arg5[%dma_start3A_329, %dma_start3A_337] : memref<4x128xi32, #tpu.memory_space<vmem>> -> memref<1x64xi32, #tpu.memory_space<vmem>>
    %dma_start3A_339 = tpu.memref_squeeze %dma_start3A_338 : memref<1x64xi32, #tpu.memory_space<vmem>> -> memref<64xi32, #tpu.memory_space<vmem>>
    %dma_start3A_340 = arith.constant 0 : i32
    %dma_start3A_341 = arith.constant 0 : i32
    %dma_start3A_342 = arith.constant 0 : i32
    %dma_start3A_343 = tpu.memref_slice %arg7[%dma_start3A_340, %dma_start3A_341, %dma_start3A_342] : memref<1000x4x128xf32, #tpu.memory_space<vmem_shared>> -> memref<1000x4x128xf32, #tpu.memory_space<vmem_shared>>
    %dma_start3A_344 = tpu.memref_slice %arg8[%dma_start3A_331] : memref<2x!tpu.dma_semaphore, #tpu.memory_space<semaphore_mem>> -> memref<1x!tpu.dma_semaphore, #tpu.memory_space<semaphore_mem>>
    %dma_start3A_345 = tpu.memref_squeeze %dma_start3A_344 : memref<1x!tpu.dma_semaphore, #tpu.memory_space<semaphore_mem>> -> memref<!tpu.dma_semaphore, #tpu.memory_space<semaphore_mem>>
    tpu.enqueue_indirect_dma source(%dma_start3A_343 : memref<1000x4x128xf32, #tpu.memory_space<vmem_shared>>) target(%dma_start3A_336 : memref<64x4x128xf32, #tpu.memory_space<vmem>>) offsets(%dma_start3A_339 : memref<64xi32, #tpu.memory_space<vmem>>) semaphore(%dma_start3A_345 : memref<!tpu.dma_semaphore, #tpu.memory_space<semaphore_mem>>)
    %dma_wait3A_346 = arith.constant 2 : i32
    %dma_wait3A_347 = arith.constant 0 : i32
    %dma_wait3A_348 = arith.constant 0 : i32
    %dma_wait3A_349 = arith.constant 0 : i32
    %dma_wait3A_350 = arith.constant 0 : i32
    %dma_wait3A_351 = arith.constant 0 : i32
    %dma_wait3A_352 = tpu.memref_slice %arg6[%dma_wait3A_347, %dma_wait3A_349, %dma_wait3A_350, %dma_wait3A_351] : memref<2x64x4x128xf32, #tpu.memory_space<vmem>> -> memref<1x64x4x128xf32, #tpu.memory_space<vmem>>
    %dma_wait3A_353 = tpu.memref_squeeze %dma_wait3A_352 : memref<1x64x4x128xf32, #tpu.memory_space<vmem>> -> memref<64x4x128xf32, #tpu.memory_space<vmem>>
    %dma_wait3A_354 = arith.constant 0 : i32
    %dma_wait3A_355 = tpu.memref_slice %arg5[%dma_wait3A_346, %dma_wait3A_354] : memref<4x128xi32, #tpu.memory_space<vmem>> -> memref<1x64xi32, #tpu.memory_space<vmem>>
    %dma_wait3A_356 = tpu.memref_squeeze %dma_wait3A_355 : memref<1x64xi32, #tpu.memory_space<vmem>> -> memref<64xi32, #tpu.memory_space<vmem>>
    %dma_wait3A_357 = arith.constant 0 : i32
    %dma_wait3A_358 = arith.constant 0 : i32
    %dma_wait3A_359 = arith.constant 0 : i32
    %dma_wait3A_360 = tpu.memref_slice %arg7[%dma_wait3A_357, %dma_wait3A_358, %dma_wait3A_359] : memref<1000x4x128xf32, #tpu.memory_space<vmem_shared>> -> memref<1000x4x128xf32, #tpu.memory_space<vmem_shared>>
    %dma_wait3A_361 = tpu.memref_slice %arg8[%dma_wait3A_348] : memref<2x!tpu.dma_semaphore, #tpu.memory_space<semaphore_mem>> -> memref<1x!tpu.dma_semaphore, #tpu.memory_space<semaphore_mem>>
    %dma_wait3A_362 = tpu.memref_squeeze %dma_wait3A_361 : memref<1x!tpu.dma_semaphore, #tpu.memory_space<semaphore_mem>> -> memref<!tpu.dma_semaphore, #tpu.memory_space<semaphore_mem>>
    tpu.wait_indirect_dma semaphore(%dma_wait3A_362 : memref<!tpu.dma_semaphore, #tpu.memory_space<semaphore_mem>>) src(%dma_wait3A_360 : memref<1000x4x128xf32, #tpu.memory_space<vmem_shared>>) dst(%dma_wait3A_353 : memref<64x4x128xf32, #tpu.memory_space<vmem>>)
    %add3A_363 = arith.constant 1024 : i32
    %add3A_364 = arith.addi %multiple_of3A, %add3A_363 : i32
    %dma_start3A_365 = arith.constant 0 : i32
    %dma_start3A_366 = arith.constant 0 : i32
    %dma_start3A_367 = arith.constant 0 : i32
    %dma_start3A_368 = arith.constant 0 : i32
    %dma_start3A_369 = arith.constant 0 : i32
    %dma_start3A_370 = tpu.memref_slice %arg6[%dma_start3A_365, %dma_start3A_367, %dma_start3A_368, %dma_start3A_369] : memref<2x64x4x128xf32, #tpu.memory_space<vmem>> -> memref<1x64x4x128xf32, #tpu.memory_space<vmem>>
    %dma_start3A_371 = tpu.memref_squeeze %dma_start3A_370 : memref<1x64x4x128xf32, #tpu.memory_space<vmem>> -> memref<64x4x128xf32, #tpu.memory_space<vmem>>
    %dma_start3A_372 = tpu.memref_reshape %dma_start3A_371 : memref<64x4x128xf32, #tpu.memory_space<vmem>> -> memref<256x128xf32, #tpu.memory_space<vmem>>
    %dma_start3A_373 = arith.constant 0 : i32
    %dma_start3A_374 = tpu.memref_slice %arg4[%add3A_364, %dma_start3A_373] : memref<65536x128xf32, #tpu.memory_space<hbm>> -> memref<256x128xf32, #tpu.memory_space<hbm>>
    %dma_start3A_375 = tpu.memref_slice %arg9[%dma_start3A_366] : memref<2x!tpu.dma_semaphore, #tpu.memory_space<semaphore_mem>> -> memref<1x!tpu.dma_semaphore, #tpu.memory_space<semaphore_mem>>
    %dma_start3A_376 = tpu.memref_squeeze %dma_start3A_375 : memref<1x!tpu.dma_semaphore, #tpu.memory_space<semaphore_mem>> -> memref<!tpu.dma_semaphore, #tpu.memory_space<semaphore_mem>>
    %dma_start3A_377 = arith.constant 0 : i32
    %dma_start3A_378 = tpu.memref_slice %arg4[%add3A_364, %dma_start3A_377] : memref<65536x128xf32, #tpu.memory_space<hbm>> -> memref<256x128xf32, #tpu.memory_space<hbm>>
    %dma_start3A_379 = arith.constant 0 : i32
    %dma_start3A_380 = arith.constant 0 : i32
    %dma_start3A_381 = arith.constant 0 : i32
    %dma_start3A_382 = tpu.memref_slice %arg6[%dma_start3A_365, %dma_start3A_379, %dma_start3A_380, %dma_start3A_381] : memref<2x64x4x128xf32, #tpu.memory_space<vmem>> -> memref<1x64x4x128xf32, #tpu.memory_space<vmem>>
    %dma_start3A_383 = tpu.memref_squeeze %dma_start3A_382 : memref<1x64x4x128xf32, #tpu.memory_space<vmem>> -> memref<64x4x128xf32, #tpu.memory_space<vmem>>
    %dma_start3A_384 = tpu.memref_reshape %dma_start3A_383 : memref<64x4x128xf32, #tpu.memory_space<vmem>> -> memref<256x128xf32, #tpu.memory_space<vmem>>
    tpu.enqueue_dma source(%dma_start3A_384 : memref<256x128xf32, #tpu.memory_space<vmem>>) target(%dma_start3A_378 : memref<256x128xf32, #tpu.memory_space<hbm>>) target_semaphore(%dma_start3A_376 : memref<!tpu.dma_semaphore, #tpu.memory_space<semaphore_mem>>)
    %dma_wait3A_385 = arith.constant 0 : i32
    %dma_wait3A_386 = arith.constant 0 : i32
    %dma_wait3A_387 = arith.constant 0 : i32
    %dma_wait3A_388 = arith.constant 0 : i32
    %dma_wait3A_389 = arith.constant 0 : i32
    %dma_wait3A_390 = tpu.memref_slice %arg6[%dma_wait3A_385, %dma_wait3A_387, %dma_wait3A_388, %dma_wait3A_389] : memref<2x64x4x128xf32, #tpu.memory_space<vmem>> -> memref<1x64x4x128xf32, #tpu.memory_space<vmem>>
    %dma_wait3A_391 = tpu.memref_squeeze %dma_wait3A_390 : memref<1x64x4x128xf32, #tpu.memory_space<vmem>> -> memref<64x4x128xf32, #tpu.memory_space<vmem>>
    %dma_wait3A_392 = tpu.memref_reshape %dma_wait3A_391 : memref<64x4x128xf32, #tpu.memory_space<vmem>> -> memref<256x128xf32, #tpu.memory_space<vmem>>
    %dma_wait3A_393 = arith.constant 0 : i32
    %dma_wait3A_394 = tpu.memref_slice %arg4[%add3A_364, %dma_wait3A_393] : memref<65536x128xf32, #tpu.memory_space<hbm>> -> memref<256x128xf32, #tpu.memory_space<hbm>>
    %dma_wait3A_395 = tpu.memref_slice %arg9[%dma_wait3A_386] : memref<2x!tpu.dma_semaphore, #tpu.memory_space<semaphore_mem>> -> memref<1x!tpu.dma_semaphore, #tpu.memory_space<semaphore_mem>>
    %dma_wait3A_396 = tpu.memref_squeeze %dma_wait3A_395 : memref<1x!tpu.dma_semaphore, #tpu.memory_space<semaphore_mem>> -> memref<!tpu.dma_semaphore, #tpu.memory_space<semaphore_mem>>
    %dma_wait3A_397 = arith.constant 0 : i32
    %dma_wait3A_398 = tpu.memref_slice %arg4[%add3A_364, %dma_wait3A_397] : memref<65536x128xf32, #tpu.memory_space<hbm>> -> memref<256x128xf32, #tpu.memory_space<hbm>>
    %dma_wait3A_399 = arith.constant 0 : i32
    %dma_wait3A_400 = arith.constant 0 : i32
    %dma_wait3A_401 = arith.constant 0 : i32
    %dma_wait3A_402 = tpu.memref_slice %arg6[%dma_wait3A_385, %dma_wait3A_399, %dma_wait3A_400, %dma_wait3A_401] : memref<2x64x4x128xf32, #tpu.memory_space<vmem>> -> memref<1x64x4x128xf32, #tpu.memory_space<vmem>>
    %dma_wait3A_403 = tpu.memref_squeeze %dma_wait3A_402 : memref<1x64x4x128xf32, #tpu.memory_space<vmem>> -> memref<64x4x128xf32, #tpu.memory_space<vmem>>
    %dma_wait3A_404 = tpu.memref_reshape %dma_wait3A_403 : memref<64x4x128xf32, #tpu.memory_space<vmem>> -> memref<256x128xf32, #tpu.memory_space<vmem>>
    tpu.wait_dma2 semaphore(%dma_wait3A_396 : memref<!tpu.dma_semaphore, #tpu.memory_space<semaphore_mem>>) src(%dma_wait3A_404 : memref<256x128xf32, #tpu.memory_space<vmem>>) dst(%dma_wait3A_398 : memref<256x128xf32, #tpu.memory_space<hbm>>)
    %dma_start3A_405 = arith.constant 3 : i32
    %dma_start3A_406 = arith.constant 0 : i32
    %dma_start3A_407 = arith.constant 0 : i32
    %dma_start3A_408 = arith.constant 0 : i32
    %dma_start3A_409 = arith.constant 0 : i32
    %dma_start3A_410 = arith.constant 0 : i32
    %dma_start3A_411 = tpu.memref_slice %arg6[%dma_start3A_406, %dma_start3A_408, %dma_start3A_409, %dma_start3A_410] : memref<2x64x4x128xf32, #tpu.memory_space<vmem>> -> memref<1x64x4x128xf32, #tpu.memory_space<vmem>>
    %dma_start3A_412 = tpu.memref_squeeze %dma_start3A_411 : memref<1x64x4x128xf32, #tpu.memory_space<vmem>> -> memref<64x4x128xf32, #tpu.memory_space<vmem>>
    %dma_start3A_413 = arith.constant 0 : i32
    %dma_start3A_414 = tpu.memref_slice %arg5[%dma_start3A_405, %dma_start3A_413] : memref<4x128xi32, #tpu.memory_space<vmem>> -> memref<1x64xi32, #tpu.memory_space<vmem>>
    %dma_start3A_415 = tpu.memref_squeeze %dma_start3A_414 : memref<1x64xi32, #tpu.memory_space<vmem>> -> memref<64xi32, #tpu.memory_space<vmem>>
    %dma_start3A_416 = arith.constant 0 : i32
    %dma_start3A_417 = arith.constant 0 : i32
    %dma_start3A_418 = arith.constant 0 : i32
    %dma_start3A_419 = tpu.memref_slice %arg7[%dma_start3A_416, %dma_start3A_417, %dma_start3A_418] : memref<1000x4x128xf32, #tpu.memory_space<vmem_shared>> -> memref<1000x4x128xf32, #tpu.memory_space<vmem_shared>>
    %dma_start3A_420 = tpu.memref_slice %arg8[%dma_start3A_407] : memref<2x!tpu.dma_semaphore, #tpu.memory_space<semaphore_mem>> -> memref<1x!tpu.dma_semaphore, #tpu.memory_space<semaphore_mem>>
    %dma_start3A_421 = tpu.memref_squeeze %dma_start3A_420 : memref<1x!tpu.dma_semaphore, #tpu.memory_space<semaphore_mem>> -> memref<!tpu.dma_semaphore, #tpu.memory_space<semaphore_mem>>
    tpu.enqueue_indirect_dma source(%dma_start3A_419 : memref<1000x4x128xf32, #tpu.memory_space<vmem_shared>>) target(%dma_start3A_412 : memref<64x4x128xf32, #tpu.memory_space<vmem>>) offsets(%dma_start3A_415 : memref<64xi32, #tpu.memory_space<vmem>>) semaphore(%dma_start3A_421 : memref<!tpu.dma_semaphore, #tpu.memory_space<semaphore_mem>>)
    %dma_wait3A_422 = arith.constant 2 : i32
    %dma_wait3A_423 = arith.constant 1 : i32
    %dma_wait3A_424 = arith.constant 1 : i32
    %dma_wait3A_425 = arith.constant 0 : i32
    %dma_wait3A_426 = arith.constant 0 : i32
    %dma_wait3A_427 = arith.constant 0 : i32
    %dma_wait3A_428 = tpu.memref_slice %arg6[%dma_wait3A_423, %dma_wait3A_425, %dma_wait3A_426, %dma_wait3A_427] : memref<2x64x4x128xf32, #tpu.memory_space<vmem>> -> memref<1x64x4x128xf32, #tpu.memory_space<vmem>>
    %dma_wait3A_429 = tpu.memref_squeeze %dma_wait3A_428 : memref<1x64x4x128xf32, #tpu.memory_space<vmem>> -> memref<64x4x128xf32, #tpu.memory_space<vmem>>
    %dma_wait3A_430 = arith.constant 64 : i32
    %dma_wait3A_431 = tpu.memref_slice %arg5[%dma_wait3A_422, %dma_wait3A_430] : memref<4x128xi32, #tpu.memory_space<vmem>> -> memref<1x64xi32, #tpu.memory_space<vmem>>
    %dma_wait3A_432 = tpu.memref_squeeze %dma_wait3A_431 : memref<1x64xi32, #tpu.memory_space<vmem>> -> memref<64xi32, #tpu.memory_space<vmem>>
    %dma_wait3A_433 = arith.constant 0 : i32
    %dma_wait3A_434 = arith.constant 0 : i32
    %dma_wait3A_435 = arith.constant 0 : i32
    %dma_wait3A_436 = tpu.memref_slice %arg7[%dma_wait3A_433, %dma_wait3A_434, %dma_wait3A_435] : memref<1000x4x128xf32, #tpu.memory_space<vmem_shared>> -> memref<1000x4x128xf32, #tpu.memory_space<vmem_shared>>
    %dma_wait3A_437 = tpu.memref_slice %arg8[%dma_wait3A_424] : memref<2x!tpu.dma_semaphore, #tpu.memory_space<semaphore_mem>> -> memref<1x!tpu.dma_semaphore, #tpu.memory_space<semaphore_mem>>
    %dma_wait3A_438 = tpu.memref_squeeze %dma_wait3A_437 : memref<1x!tpu.dma_semaphore, #tpu.memory_space<semaphore_mem>> -> memref<!tpu.dma_semaphore, #tpu.memory_space<semaphore_mem>>
    tpu.wait_indirect_dma semaphore(%dma_wait3A_438 : memref<!tpu.dma_semaphore, #tpu.memory_space<semaphore_mem>>) src(%dma_wait3A_436 : memref<1000x4x128xf32, #tpu.memory_space<vmem_shared>>) dst(%dma_wait3A_429 : memref<64x4x128xf32, #tpu.memory_space<vmem>>)
    %add3A_439 = arith.constant 1280 : i32
    %add3A_440 = arith.addi %multiple_of3A, %add3A_439 : i32
    %dma_start3A_441 = arith.constant 1 : i32
    %dma_start3A_442 = arith.constant 1 : i32
    %dma_start3A_443 = arith.constant 0 : i32
    %dma_start3A_444 = arith.constant 0 : i32
    %dma_start3A_445 = arith.constant 0 : i32
    %dma_start3A_446 = tpu.memref_slice %arg6[%dma_start3A_441, %dma_start3A_443, %dma_start3A_444, %dma_start3A_445] : memref<2x64x4x128xf32, #tpu.memory_space<vmem>> -> memref<1x64x4x128xf32, #tpu.memory_space<vmem>>
    %dma_start3A_447 = tpu.memref_squeeze %dma_start3A_446 : memref<1x64x4x128xf32, #tpu.memory_space<vmem>> -> memref<64x4x128xf32, #tpu.memory_space<vmem>>
    %dma_start3A_448 = tpu.memref_reshape %dma_start3A_447 : memref<64x4x128xf32, #tpu.memory_space<vmem>> -> memref<256x128xf32, #tpu.memory_space<vmem>>
    %dma_start3A_449 = arith.constant 0 : i32
    %dma_start3A_450 = tpu.memref_slice %arg4[%add3A_440, %dma_start3A_449] : memref<65536x128xf32, #tpu.memory_space<hbm>> -> memref<256x128xf32, #tpu.memory_space<hbm>>
    %dma_start3A_451 = tpu.memref_slice %arg9[%dma_start3A_442] : memref<2x!tpu.dma_semaphore, #tpu.memory_space<semaphore_mem>> -> memref<1x!tpu.dma_semaphore, #tpu.memory_space<semaphore_mem>>
    %dma_start3A_452 = tpu.memref_squeeze %dma_start3A_451 : memref<1x!tpu.dma_semaphore, #tpu.memory_space<semaphore_mem>> -> memref<!tpu.dma_semaphore, #tpu.memory_space<semaphore_mem>>
    %dma_start3A_453 = arith.constant 0 : i32
    %dma_start3A_454 = tpu.memref_slice %arg4[%add3A_440, %dma_start3A_453] : memref<65536x128xf32, #tpu.memory_space<hbm>> -> memref<256x128xf32, #tpu.memory_space<hbm>>
    %dma_start3A_455 = arith.constant 0 : i32
    %dma_start3A_456 = arith.constant 0 : i32
    %dma_start3A_457 = arith.constant 0 : i32
    %dma_start3A_458 = tpu.memref_slice %arg6[%dma_start3A_441, %dma_start3A_455, %dma_start3A_456, %dma_start3A_457] : memref<2x64x4x128xf32, #tpu.memory_space<vmem>> -> memref<1x64x4x128xf32, #tpu.memory_space<vmem>>
    %dma_start3A_459 = tpu.memref_squeeze %dma_start3A_458 : memref<1x64x4x128xf32, #tpu.memory_space<vmem>> -> memref<64x4x128xf32, #tpu.memory_space<vmem>>
    %dma_start3A_460 = tpu.memref_reshape %dma_start3A_459 : memref<64x4x128xf32, #tpu.memory_space<vmem>> -> memref<256x128xf32, #tpu.memory_space<vmem>>
    tpu.enqueue_dma source(%dma_start3A_460 : memref<256x128xf32, #tpu.memory_space<vmem>>) target(%dma_start3A_454 : memref<256x128xf32, #tpu.memory_space<hbm>>) target_semaphore(%dma_start3A_452 : memref<!tpu.dma_semaphore, #tpu.memory_space<semaphore_mem>>)
    %dma_wait3A_461 = arith.constant 1 : i32
    %dma_wait3A_462 = arith.constant 1 : i32
    %dma_wait3A_463 = arith.constant 0 : i32
    %dma_wait3A_464 = arith.constant 0 : i32
    %dma_wait3A_465 = arith.constant 0 : i32
    %dma_wait3A_466 = tpu.memref_slice %arg6[%dma_wait3A_461, %dma_wait3A_463, %dma_wait3A_464, %dma_wait3A_465] : memref<2x64x4x128xf32, #tpu.memory_space<vmem>> -> memref<1x64x4x128xf32, #tpu.memory_space<vmem>>
    %dma_wait3A_467 = tpu.memref_squeeze %dma_wait3A_466 : memref<1x64x4x128xf32, #tpu.memory_space<vmem>> -> memref<64x4x128xf32, #tpu.memory_space<vmem>>
    %dma_wait3A_468 = tpu.memref_reshape %dma_wait3A_467 : memref<64x4x128xf32, #tpu.memory_space<vmem>> -> memref<256x128xf32, #tpu.memory_space<vmem>>
    %dma_wait3A_469 = arith.constant 0 : i32
    %dma_wait3A_470 = tpu.memref_slice %arg4[%add3A_440, %dma_wait3A_469] : memref<65536x128xf32, #tpu.memory_space<hbm>> -> memref<256x128xf32, #tpu.memory_space<hbm>>
    %dma_wait3A_471 = tpu.memref_slice %arg9[%dma_wait3A_462] : memref<2x!tpu.dma_semaphore, #tpu.memory_space<semaphore_mem>> -> memref<1x!tpu.dma_semaphore, #tpu.memory_space<semaphore_mem>>
    %dma_wait3A_472 = tpu.memref_squeeze %dma_wait3A_471 : memref<1x!tpu.dma_semaphore, #tpu.memory_space<semaphore_mem>> -> memref<!tpu.dma_semaphore, #tpu.memory_space<semaphore_mem>>
    %dma_wait3A_473 = arith.constant 0 : i32
    %dma_wait3A_474 = tpu.memref_slice %arg4[%add3A_440, %dma_wait3A_473] : memref<65536x128xf32, #tpu.memory_space<hbm>> -> memref<256x128xf32, #tpu.memory_space<hbm>>
    %dma_wait3A_475 = arith.constant 0 : i32
    %dma_wait3A_476 = arith.constant 0 : i32
    %dma_wait3A_477 = arith.constant 0 : i32
    %dma_wait3A_478 = tpu.memref_slice %arg6[%dma_wait3A_461, %dma_wait3A_475, %dma_wait3A_476, %dma_wait3A_477] : memref<2x64x4x128xf32, #tpu.memory_space<vmem>> -> memref<1x64x4x128xf32, #tpu.memory_space<vmem>>
    %dma_wait3A_479 = tpu.memref_squeeze %dma_wait3A_478 : memref<1x64x4x128xf32, #tpu.memory_space<vmem>> -> memref<64x4x128xf32, #tpu.memory_space<vmem>>
    %dma_wait3A_480 = tpu.memref_reshape %dma_wait3A_479 : memref<64x4x128xf32, #tpu.memory_space<vmem>> -> memref<256x128xf32, #tpu.memory_space<vmem>>
    tpu.wait_dma2 semaphore(%dma_wait3A_472 : memref<!tpu.dma_semaphore, #tpu.memory_space<semaphore_mem>>) src(%dma_wait3A_480 : memref<256x128xf32, #tpu.memory_space<vmem>>) dst(%dma_wait3A_474 : memref<256x128xf32, #tpu.memory_space<hbm>>)
    %dma_start3A_481 = arith.constant 3 : i32
    %dma_start3A_482 = arith.constant 1 : i32
    %dma_start3A_483 = arith.constant 1 : i32
    %dma_start3A_484 = arith.constant 0 : i32
    %dma_start3A_485 = arith.constant 0 : i32
    %dma_start3A_486 = arith.constant 0 : i32
    %dma_start3A_487 = tpu.memref_slice %arg6[%dma_start3A_482, %dma_start3A_484, %dma_start3A_485, %dma_start3A_486] : memref<2x64x4x128xf32, #tpu.memory_space<vmem>> -> memref<1x64x4x128xf32, #tpu.memory_space<vmem>>
    %dma_start3A_488 = tpu.memref_squeeze %dma_start3A_487 : memref<1x64x4x128xf32, #tpu.memory_space<vmem>> -> memref<64x4x128xf32, #tpu.memory_space<vmem>>
    %dma_start3A_489 = arith.constant 64 : i32
    %dma_start3A_490 = tpu.memref_slice %arg5[%dma_start3A_481, %dma_start3A_489] : memref<4x128xi32, #tpu.memory_space<vmem>> -> memref<1x64xi32, #tpu.memory_space<vmem>>
    %dma_start3A_491 = tpu.memref_squeeze %dma_start3A_490 : memref<1x64xi32, #tpu.memory_space<vmem>> -> memref<64xi32, #tpu.memory_space<vmem>>
    %dma_start3A_492 = arith.constant 0 : i32
    %dma_start3A_493 = arith.constant 0 : i32
    %dma_start3A_494 = arith.constant 0 : i32
    %dma_start3A_495 = tpu.memref_slice %arg7[%dma_start3A_492, %dma_start3A_493, %dma_start3A_494] : memref<1000x4x128xf32, #tpu.memory_space<vmem_shared>> -> memref<1000x4x128xf32, #tpu.memory_space<vmem_shared>>
    %dma_start3A_496 = tpu.memref_slice %arg8[%dma_start3A_483] : memref<2x!tpu.dma_semaphore, #tpu.memory_space<semaphore_mem>> -> memref<1x!tpu.dma_semaphore, #tpu.memory_space<semaphore_mem>>
    %dma_start3A_497 = tpu.memref_squeeze %dma_start3A_496 : memref<1x!tpu.dma_semaphore, #tpu.memory_space<semaphore_mem>> -> memref<!tpu.dma_semaphore, #tpu.memory_space<semaphore_mem>>
    tpu.enqueue_indirect_dma source(%dma_start3A_495 : memref<1000x4x128xf32, #tpu.memory_space<vmem_shared>>) target(%dma_start3A_488 : memref<64x4x128xf32, #tpu.memory_space<vmem>>) offsets(%dma_start3A_491 : memref<64xi32, #tpu.memory_space<vmem>>) semaphore(%dma_start3A_497 : memref<!tpu.dma_semaphore, #tpu.memory_space<semaphore_mem>>)
    %dma_wait3A_498 = arith.constant 3 : i32
    %dma_wait3A_499 = arith.constant 0 : i32
    %dma_wait3A_500 = arith.constant 0 : i32
    %dma_wait3A_501 = arith.constant 0 : i32
    %dma_wait3A_502 = arith.constant 0 : i32
    %dma_wait3A_503 = arith.constant 0 : i32
    %dma_wait3A_504 = tpu.memref_slice %arg6[%dma_wait3A_499, %dma_wait3A_501, %dma_wait3A_502, %dma_wait3A_503] : memref<2x64x4x128xf32, #tpu.memory_space<vmem>> -> memref<1x64x4x128xf32, #tpu.memory_space<vmem>>
    %dma_wait3A_505 = tpu.memref_squeeze %dma_wait3A_504 : memref<1x64x4x128xf32, #tpu.memory_space<vmem>> -> memref<64x4x128xf32, #tpu.memory_space<vmem>>
    %dma_wait3A_506 = arith.constant 0 : i32
    %dma_wait3A_507 = tpu.memref_slice %arg5[%dma_wait3A_498, %dma_wait3A_506] : memref<4x128xi32, #tpu.memory_space<vmem>> -> memref<1x64xi32, #tpu.memory_space<vmem>>
    %dma_wait3A_508 = tpu.memref_squeeze %dma_wait3A_507 : memref<1x64xi32, #tpu.memory_space<vmem>> -> memref<64xi32, #tpu.memory_space<vmem>>
    %dma_wait3A_509 = arith.constant 0 : i32
    %dma_wait3A_510 = arith.constant 0 : i32
    %dma_wait3A_511 = arith.constant 0 : i32
    %dma_wait3A_512 = tpu.memref_slice %arg7[%dma_wait3A_509, %dma_wait3A_510, %dma_wait3A_511] : memref<1000x4x128xf32, #tpu.memory_space<vmem_shared>> -> memref<1000x4x128xf32, #tpu.memory_space<vmem_shared>>
    %dma_wait3A_513 = tpu.memref_slice %arg8[%dma_wait3A_500] : memref<2x!tpu.dma_semaphore, #tpu.memory_space<semaphore_mem>> -> memref<1x!tpu.dma_semaphore, #tpu.memory_space<semaphore_mem>>
    %dma_wait3A_514 = tpu.memref_squeeze %dma_wait3A_513 : memref<1x!tpu.dma_semaphore, #tpu.memory_space<semaphore_mem>> -> memref<!tpu.dma_semaphore, #tpu.memory_space<semaphore_mem>>
    tpu.wait_indirect_dma semaphore(%dma_wait3A_514 : memref<!tpu.dma_semaphore, #tpu.memory_space<semaphore_mem>>) src(%dma_wait3A_512 : memref<1000x4x128xf32, #tpu.memory_space<vmem_shared>>) dst(%dma_wait3A_505 : memref<64x4x128xf32, #tpu.memory_space<vmem>>)
    %add3A_515 = arith.constant 1536 : i32
    %add3A_516 = arith.addi %multiple_of3A, %add3A_515 : i32
    %dma_start3A_517 = arith.constant 0 : i32
    %dma_start3A_518 = arith.constant 0 : i32
    %dma_start3A_519 = arith.constant 0 : i32
    %dma_start3A_520 = arith.constant 0 : i32
    %dma_start3A_521 = arith.constant 0 : i32
    %dma_start3A_522 = tpu.memref_slice %arg6[%dma_start3A_517, %dma_start3A_519, %dma_start3A_520, %dma_start3A_521] : memref<2x64x4x128xf32, #tpu.memory_space<vmem>> -> memref<1x64x4x128xf32, #tpu.memory_space<vmem>>
    %dma_start3A_523 = tpu.memref_squeeze %dma_start3A_522 : memref<1x64x4x128xf32, #tpu.memory_space<vmem>> -> memref<64x4x128xf32, #tpu.memory_space<vmem>>
    %dma_start3A_524 = tpu.memref_reshape %dma_start3A_523 : memref<64x4x128xf32, #tpu.memory_space<vmem>> -> memref<256x128xf32, #tpu.memory_space<vmem>>
    %dma_start3A_525 = arith.constant 0 : i32
    %dma_start3A_526 = tpu.memref_slice %arg4[%add3A_516, %dma_start3A_525] : memref<65536x128xf32, #tpu.memory_space<hbm>> -> memref<256x128xf32, #tpu.memory_space<hbm>>
    %dma_start3A_527 = tpu.memref_slice %arg9[%dma_start3A_518] : memref<2x!tpu.dma_semaphore, #tpu.memory_space<semaphore_mem>> -> memref<1x!tpu.dma_semaphore, #tpu.memory_space<semaphore_mem>>
    %dma_start3A_528 = tpu.memref_squeeze %dma_start3A_527 : memref<1x!tpu.dma_semaphore, #tpu.memory_space<semaphore_mem>> -> memref<!tpu.dma_semaphore, #tpu.memory_space<semaphore_mem>>
    %dma_start3A_529 = arith.constant 0 : i32
    %dma_start3A_530 = tpu.memref_slice %arg4[%add3A_516, %dma_start3A_529] : memref<65536x128xf32, #tpu.memory_space<hbm>> -> memref<256x128xf32, #tpu.memory_space<hbm>>
    %dma_start3A_531 = arith.constant 0 : i32
    %dma_start3A_532 = arith.constant 0 : i32
    %dma_start3A_533 = arith.constant 0 : i32
    %dma_start3A_534 = tpu.memref_slice %arg6[%dma_start3A_517, %dma_start3A_531, %dma_start3A_532, %dma_start3A_533] : memref<2x64x4x128xf32, #tpu.memory_space<vmem>> -> memref<1x64x4x128xf32, #tpu.memory_space<vmem>>
    %dma_start3A_535 = tpu.memref_squeeze %dma_start3A_534 : memref<1x64x4x128xf32, #tpu.memory_space<vmem>> -> memref<64x4x128xf32, #tpu.memory_space<vmem>>
    %dma_start3A_536 = tpu.memref_reshape %dma_start3A_535 : memref<64x4x128xf32, #tpu.memory_space<vmem>> -> memref<256x128xf32, #tpu.memory_space<vmem>>
    tpu.enqueue_dma source(%dma_start3A_536 : memref<256x128xf32, #tpu.memory_space<vmem>>) target(%dma_start3A_530 : memref<256x128xf32, #tpu.memory_space<hbm>>) target_semaphore(%dma_start3A_528 : memref<!tpu.dma_semaphore, #tpu.memory_space<semaphore_mem>>)
    %dma_wait3A_537 = arith.constant 3 : i32
    %dma_wait3A_538 = arith.constant 1 : i32
    %dma_wait3A_539 = arith.constant 1 : i32
    %dma_wait3A_540 = arith.constant 0 : i32
    %dma_wait3A_541 = arith.constant 0 : i32
    %dma_wait3A_542 = arith.constant 0 : i32
    %dma_wait3A_543 = tpu.memref_slice %arg6[%dma_wait3A_538, %dma_wait3A_540, %dma_wait3A_541, %dma_wait3A_542] : memref<2x64x4x128xf32, #tpu.memory_space<vmem>> -> memref<1x64x4x128xf32, #tpu.memory_space<vmem>>
    %dma_wait3A_544 = tpu.memref_squeeze %dma_wait3A_543 : memref<1x64x4x128xf32, #tpu.memory_space<vmem>> -> memref<64x4x128xf32, #tpu.memory_space<vmem>>
    %dma_wait3A_545 = arith.constant 64 : i32
    %dma_wait3A_546 = tpu.memref_slice %arg5[%dma_wait3A_537, %dma_wait3A_545] : memref<4x128xi32, #tpu.memory_space<vmem>> -> memref<1x64xi32, #tpu.memory_space<vmem>>
    %dma_wait3A_547 = tpu.memref_squeeze %dma_wait3A_546 : memref<1x64xi32, #tpu.memory_space<vmem>> -> memref<64xi32, #tpu.memory_space<vmem>>
    %dma_wait3A_548 = arith.constant 0 : i32
    %dma_wait3A_549 = arith.constant 0 : i32
    %dma_wait3A_550 = arith.constant 0 : i32
    %dma_wait3A_551 = tpu.memref_slice %arg7[%dma_wait3A_548, %dma_wait3A_549, %dma_wait3A_550] : memref<1000x4x128xf32, #tpu.memory_space<vmem_shared>> -> memref<1000x4x128xf32, #tpu.memory_space<vmem_shared>>
    %dma_wait3A_552 = tpu.memref_slice %arg8[%dma_wait3A_539] : memref<2x!tpu.dma_semaphore, #tpu.memory_space<semaphore_mem>> -> memref<1x!tpu.dma_semaphore, #tpu.memory_space<semaphore_mem>>
    %dma_wait3A_553 = tpu.memref_squeeze %dma_wait3A_552 : memref<1x!tpu.dma_semaphore, #tpu.memory_space<semaphore_mem>> -> memref<!tpu.dma_semaphore, #tpu.memory_space<semaphore_mem>>
    tpu.wait_indirect_dma semaphore(%dma_wait3A_553 : memref<!tpu.dma_semaphore, #tpu.memory_space<semaphore_mem>>) src(%dma_wait3A_551 : memref<1000x4x128xf32, #tpu.memory_space<vmem_shared>>) dst(%dma_wait3A_544 : memref<64x4x128xf32, #tpu.memory_space<vmem>>)
    %add3A_554 = arith.constant 1792 : i32
    %add3A_555 = arith.addi %multiple_of3A, %add3A_554 : i32
    %dma_start3A_556 = arith.constant 1 : i32
    %dma_start3A_557 = arith.constant 1 : i32
    %dma_start3A_558 = arith.constant 0 : i32
    %dma_start3A_559 = arith.constant 0 : i32
    %dma_start3A_560 = arith.constant 0 : i32
    %dma_start3A_561 = tpu.memref_slice %arg6[%dma_start3A_556, %dma_start3A_558, %dma_start3A_559, %dma_start3A_560] : memref<2x64x4x128xf32, #tpu.memory_space<vmem>> -> memref<1x64x4x128xf32, #tpu.memory_space<vmem>>
    %dma_start3A_562 = tpu.memref_squeeze %dma_start3A_561 : memref<1x64x4x128xf32, #tpu.memory_space<vmem>> -> memref<64x4x128xf32, #tpu.memory_space<vmem>>
    %dma_start3A_563 = tpu.memref_reshape %dma_start3A_562 : memref<64x4x128xf32, #tpu.memory_space<vmem>> -> memref<256x128xf32, #tpu.memory_space<vmem>>
    %dma_start3A_564 = arith.constant 0 : i32
    %dma_start3A_565 = tpu.memref_slice %arg4[%add3A_555, %dma_start3A_564] : memref<65536x128xf32, #tpu.memory_space<hbm>> -> memref<256x128xf32, #tpu.memory_space<hbm>>
    %dma_start3A_566 = tpu.memref_slice %arg9[%dma_start3A_557] : memref<2x!tpu.dma_semaphore, #tpu.memory_space<semaphore_mem>> -> memref<1x!tpu.dma_semaphore, #tpu.memory_space<semaphore_mem>>
    %dma_start3A_567 = tpu.memref_squeeze %dma_start3A_566 : memref<1x!tpu.dma_semaphore, #tpu.memory_space<semaphore_mem>> -> memref<!tpu.dma_semaphore, #tpu.memory_space<semaphore_mem>>
    %dma_start3A_568 = arith.constant 0 : i32
    %dma_start3A_569 = tpu.memref_slice %arg4[%add3A_555, %dma_start3A_568] : memref<65536x128xf32, #tpu.memory_space<hbm>> -> memref<256x128xf32, #tpu.memory_space<hbm>>
    %dma_start3A_570 = arith.constant 0 : i32
    %dma_start3A_571 = arith.constant 0 : i32
    %dma_start3A_572 = arith.constant 0 : i32
    %dma_start3A_573 = tpu.memref_slice %arg6[%dma_start3A_556, %dma_start3A_570, %dma_start3A_571, %dma_start3A_572] : memref<2x64x4x128xf32, #tpu.memory_space<vmem>> -> memref<1x64x4x128xf32, #tpu.memory_space<vmem>>
    %dma_start3A_574 = tpu.memref_squeeze %dma_start3A_573 : memref<1x64x4x128xf32, #tpu.memory_space<vmem>> -> memref<64x4x128xf32, #tpu.memory_space<vmem>>
    %dma_start3A_575 = tpu.memref_reshape %dma_start3A_574 : memref<64x4x128xf32, #tpu.memory_space<vmem>> -> memref<256x128xf32, #tpu.memory_space<vmem>>
    tpu.enqueue_dma source(%dma_start3A_575 : memref<256x128xf32, #tpu.memory_space<vmem>>) target(%dma_start3A_569 : memref<256x128xf32, #tpu.memory_space<hbm>>) target_semaphore(%dma_start3A_567 : memref<!tpu.dma_semaphore, #tpu.memory_space<semaphore_mem>>)
    %dma_wait3A_576 = arith.constant 0 : i32
    %dma_wait3A_577 = arith.constant 0 : i32
    %dma_wait3A_578 = arith.constant 0 : i32
    %dma_wait3A_579 = arith.constant 0 : i32
    %dma_wait3A_580 = arith.constant 0 : i32
    %dma_wait3A_581 = tpu.memref_slice %arg6[%dma_wait3A_576, %dma_wait3A_578, %dma_wait3A_579, %dma_wait3A_580] : memref<2x64x4x128xf32, #tpu.memory_space<vmem>> -> memref<1x64x4x128xf32, #tpu.memory_space<vmem>>
    %dma_wait3A_582 = tpu.memref_squeeze %dma_wait3A_581 : memref<1x64x4x128xf32, #tpu.memory_space<vmem>> -> memref<64x4x128xf32, #tpu.memory_space<vmem>>
    %dma_wait3A_583 = tpu.memref_reshape %dma_wait3A_582 : memref<64x4x128xf32, #tpu.memory_space<vmem>> -> memref<256x128xf32, #tpu.memory_space<vmem>>
    %dma_wait3A_584 = arith.constant 0 : i32
    %dma_wait3A_585 = tpu.memref_slice %arg4[%add3A_516, %dma_wait3A_584] : memref<65536x128xf32, #tpu.memory_space<hbm>> -> memref<256x128xf32, #tpu.memory_space<hbm>>
    %dma_wait3A_586 = tpu.memref_slice %arg9[%dma_wait3A_577] : memref<2x!tpu.dma_semaphore, #tpu.memory_space<semaphore_mem>> -> memref<1x!tpu.dma_semaphore, #tpu.memory_space<semaphore_mem>>
    %dma_wait3A_587 = tpu.memref_squeeze %dma_wait3A_586 : memref<1x!tpu.dma_semaphore, #tpu.memory_space<semaphore_mem>> -> memref<!tpu.dma_semaphore, #tpu.memory_space<semaphore_mem>>
    %dma_wait3A_588 = arith.constant 0 : i32
    %dma_wait3A_589 = tpu.memref_slice %arg4[%add3A_516, %dma_wait3A_588] : memref<65536x128xf32, #tpu.memory_space<hbm>> -> memref<256x128xf32, #tpu.memory_space<hbm>>
    %dma_wait3A_590 = arith.constant 0 : i32
    %dma_wait3A_591 = arith.constant 0 : i32
    %dma_wait3A_592 = arith.constant 0 : i32
    %dma_wait3A_593 = tpu.memref_slice %arg6[%dma_wait3A_576, %dma_wait3A_590, %dma_wait3A_591, %dma_wait3A_592] : memref<2x64x4x128xf32, #tpu.memory_space<vmem>> -> memref<1x64x4x128xf32, #tpu.memory_space<vmem>>
    %dma_wait3A_594 = tpu.memref_squeeze %dma_wait3A_593 : memref<1x64x4x128xf32, #tpu.memory_space<vmem>> -> memref<64x4x128xf32, #tpu.memory_space<vmem>>
    %dma_wait3A_595 = tpu.memref_reshape %dma_wait3A_594 : memref<64x4x128xf32, #tpu.memory_space<vmem>> -> memref<256x128xf32, #tpu.memory_space<vmem>>
    tpu.wait_dma2 semaphore(%dma_wait3A_587 : memref<!tpu.dma_semaphore, #tpu.memory_space<semaphore_mem>>) src(%dma_wait3A_595 : memref<256x128xf32, #tpu.memory_space<vmem>>) dst(%dma_wait3A_589 : memref<256x128xf32, #tpu.memory_space<hbm>>)
    %dma_wait3A_596 = arith.constant 1 : i32
    %dma_wait3A_597 = arith.constant 1 : i32
    %dma_wait3A_598 = arith.constant 0 : i32
    %dma_wait3A_599 = arith.constant 0 : i32
    %dma_wait3A_600 = arith.constant 0 : i32
    %dma_wait3A_601 = tpu.memref_slice %arg6[%dma_wait3A_596, %dma_wait3A_598, %dma_wait3A_599, %dma_wait3A_600] : memref<2x64x4x128xf32, #tpu.memory_space<vmem>> -> memref<1x64x4x128xf32, #tpu.memory_space<vmem>>
    %dma_wait3A_602 = tpu.memref_squeeze %dma_wait3A_601 : memref<1x64x4x128xf32, #tpu.memory_space<vmem>> -> memref<64x4x128xf32, #tpu.memory_space<vmem>>
    %dma_wait3A_603 = tpu.memref_reshape %dma_wait3A_602 : memref<64x4x128xf32, #tpu.memory_space<vmem>> -> memref<256x128xf32, #tpu.memory_space<vmem>>
    %dma_wait3A_604 = arith.constant 0 : i32
    %dma_wait3A_605 = tpu.memref_slice %arg4[%add3A_555, %dma_wait3A_604] : memref<65536x128xf32, #tpu.memory_space<hbm>> -> memref<256x128xf32, #tpu.memory_space<hbm>>
    %dma_wait3A_606 = tpu.memref_slice %arg9[%dma_wait3A_597] : memref<2x!tpu.dma_semaphore, #tpu.memory_space<semaphore_mem>> -> memref<1x!tpu.dma_semaphore, #tpu.memory_space<semaphore_mem>>
    %dma_wait3A_607 = tpu.memref_squeeze %dma_wait3A_606 : memref<1x!tpu.dma_semaphore, #tpu.memory_space<semaphore_mem>> -> memref<!tpu.dma_semaphore, #tpu.memory_space<semaphore_mem>>
    %dma_wait3A_608 = arith.constant 0 : i32
    %dma_wait3A_609 = tpu.memref_slice %arg4[%add3A_555, %dma_wait3A_608] : memref<65536x128xf32, #tpu.memory_space<hbm>> -> memref<256x128xf32, #tpu.memory_space<hbm>>
    %dma_wait3A_610 = arith.constant 0 : i32
    %dma_wait3A_611 = arith.constant 0 : i32
    %dma_wait3A_612 = arith.constant 0 : i32
    %dma_wait3A_613 = tpu.memref_slice %arg6[%dma_wait3A_596, %dma_wait3A_610, %dma_wait3A_611, %dma_wait3A_612] : memref<2x64x4x128xf32, #tpu.memory_space<vmem>> -> memref<1x64x4x128xf32, #tpu.memory_space<vmem>>
    %dma_wait3A_614 = tpu.memref_squeeze %dma_wait3A_613 : memref<1x64x4x128xf32, #tpu.memory_space<vmem>> -> memref<64x4x128xf32, #tpu.memory_space<vmem>>
    %dma_wait3A_615 = tpu.memref_reshape %dma_wait3A_614 : memref<64x4x128xf32, #tpu.memory_space<vmem>> -> memref<256x128xf32, #tpu.memory_space<vmem>>
    tpu.wait_dma2 semaphore(%dma_wait3A_607 : memref<!tpu.dma_semaphore, #tpu.memory_space<semaphore_mem>>) src(%dma_wait3A_615 : memref<256x128xf32, #tpu.memory_space<vmem>>) dst(%dma_wait3A_609 : memref<256x128xf32, #tpu.memory_space<hbm>>)
    return
  }
}

</mosaic_0001>

<sc_bundles>
// kernel: kernel.3.cloned.1.call-start
scs
__scs_entry_jumppad:
0x0: {  	(pc) =	sbr.rel $0x88, $3  }
0x1: {  	(tag) =	ssettag $0x0;
	lr =	simm.s32 $0x1  }
0x2: {  	[smem:$0x3F9F] =	sst lr;
	_ =	strace $0xD0000000  }
0x3: {  	_ = 	snop  }
0x4: {  	_ = 	snop  }
0x5: {  	_ = 	snop  }
0x6: {  	_ = 	snop  }
0x7: {  	_ = 	snop  }
__scs_overlays_trampoline_lowered:
0x8: {  	[smem:$0x3FAE] =	sst s0  }
0x9: {  	[smem:$0x3FAF] =	sst s1  }
0xa: {  	[smem:$0x3FB0] =	sst s2  }
0xb: {  	[smem:$0x3FB1] =	sst s3  }
0xc: {  	[smem:$0x3FB2] =	sst s4  }
0xd: {  	[smem:$0x3FB3] =	sst s5  }
0xe: {  	[smem:$0x3FB4] =	sst s6  }
0xf: {  	[smem:$0x3FB5] =	sst s7  }
0x10: {  	[smem:$0x3FB6] =	sst s8  }
0x11: {  	[smem:$0x3FB7] =	sst s9;
	s0 =	simm.s32 @!p0 $0x0  }
0x12: {  	s1 =	sld [smem:$0x3F9D];
	s0 =	simm.s32 @p0 $0x1  }
0x13: {  	[smem:$0x3FB8] =	sst s0;
	s0 =	simm.s32 @!p1 $0x0  }
0x14: {  	s2 =	sld [smem:$0x3F9C];
	s0 =	simm.s32 @p1 $0x1  }
0x15: {  	[smem:$0x3FB9] =	sst s0;
	s0 =	simm.s32 @!p2 $0x0  }
0x16: {  	s3 =	sld [smem:$0x3FDB];
	s0 =	simm.s32 @p2 $0x1  }
0x17: {  	s4 =	simm.s32 $0x1BF5;
	[smem:$0x3FBB] =	sst s0  }
0x18: {  	s0 =	sld [smem:$0x3F9E];
	_ =	swait.ge [sflag:s4], $0x0  }
0x19: {  	s7 =	sld [smem:$0x3F9F]  }
0x1a: {  	s8 =	sadd.s32 $0xFFFFE003, lr  }
0x1b: {  	s9 =	sadd.s32 $0xFFFFFEF7, lr;
	s5 =	simm.s32 $0xFFFFFFFF;
	p2 =	slt.u32 s8, $0xFFFFF086  }
0x1c: {  	p1 =	slt.u32 s9, $0xF7A;
	s5 =	simm.s32 @!p2 $0x0  }
0x1d: {  	s5 =	simm.s32 @p1 $0x1;
	p0 =	seq.s32 s7, s2  }
0x1e: {  	s7 =	smul.u32 @!p0 $0xF7A, s2;
	p2 =	seq.s32 @!p0 s5, $0x0  }
0x1f: {  	s9 =	smul.u32 $0xF7A, s1;
	s8 =	simm.s32 @!p0 $0x1BF5;
	p2 =	por !p2, p0  }
0x20: {  	[sflag:s8] =	ssyncset.s32 @!p0 $0xFFFFF086;
	s6 =	sadd.s32 @!p0 s3, s7;
	s7 =	simm.s32 @!p0 $0x108  }
0x21: {  	s3 =	sadd.s32 s3, s9;
	s6 =	sadd.s32 @!p0 $0x88, s6;
	s7 =	simm.s32 @p2 $0x1082  }
0x22: {  	[simem:s7], [sflag:s8] =	dma.local @!p0 [hbm:s6], $0xF7A  }
0x23: {  	s9 =	sor.u32 $0xD0000000, s2;
	s6 =	simm.s32 $0x108;
	_ =	swait.ge @!p0 [sflag:s8], $0x0  }
0x24: {  	s3 =	sadd.s32 $0x88, s3;
	s6 =	simm.s32 @!p1 $0x1082;
	[sflag:s4] =	ssyncset.s32 $0xFFFFF086  }
0x25: {  	[simem:s6], [sflag:s4] =	dma.local [hbm:s3], $0xF7A  }
0x26: {  	[smem:$0x3F9F] =	sst s1;
	(tag) =	ssettag s2;
	_ =	strace s9  }
0x27: {  	s1 =	sld [smem:$0x3FAF]  }
0x28: {  	s2 =	sld [smem:$0x3FB0]  }
0x29: {  	s4 =	sld [smem:$0x3FB2]  }
0x2a: {  	p0 =	seq.s32 s5, $0x0;
	s5 =	sld [smem:$0x3FB3]  }
0x2b: {  	s6 =	sld [smem:$0x3FB4]  }
0x2c: {  	s7 =	sld [smem:$0x3FB5]  }
0x2d: {  	s3 =	simm.s32 $0x108;
	s8 =	sld [smem:$0x3FB6]  }
0x2e: {  	s3 =	simm.s32 @!p0 $0x1082;
	s9 =	sld [smem:$0x3FB7]  }
0x2f: {  	lr =	sadd.s32 s0, s3;
	s0 =	sld [smem:$0x3FAE]  }
0x30: {  	s3 =	sld [smem:$0x3FB1]  }
0x31: {  	[smem:$0x3FBA] =	sst s10  }
0x32: {  	s10 =	sld [smem:$0x3FB8];
	_ =	sdelay $0x3  }
0x33: {  	p0 =	seq.s32 s10, $0x1;
	s10 =	sld [smem:$0x3FBA];
	_ =	sdelay $0x3  }
0x34: {  	[smem:$0x3FBA] =	sst s10  }
0x35: {  	s10 =	sld [smem:$0x3FB9];
	_ =	sdelay $0x3  }
0x36: {  	p1 =	seq.s32 s10, $0x1;
	s10 =	sld [smem:$0x3FBA];
	_ =	sdelay $0x3  }
0x37: {  	[smem:$0x3FBA] =	sst s10  }
0x38: {  	s10 =	sld [smem:$0x3FBB]  }
0x39: {  	_ = 	snop;
	(pc) =	sbr.ind lr, $3  }
0x3a: {  	_ = 	snop  }
0x3b: {  	_ = 	snop  }
0x3c: {  	p2 =	seq.s32 s10, $0x1;
	s10 =	sld [smem:$0x3FBA]  }
0x3d: {  	_ =	shalt  }
0x3e: {  	_ =	shalt  }
0x3f: {  	_ =	shalt  }
0x40: {  	_ =	shalt  }
0x41: {  	_ =	shalt  }
0x42: {  	_ =	shalt  }
0x43: {  	_ =	shalt  }
0x44: {  	_ =	shalt  }
0x45: {  	_ =	shalt  }
0x46: {  	_ =	shalt  }
0x47: {  	_ =	shalt  }
0x48: {  	_ =	shalt  }
0x49: {  	_ =	shalt  }
0x4a: {  	_ =	shalt  }
0x4b: {  	_ =	shalt  }
0x4c: {  	_ =	shalt  }
0x4d: {  	_ =	shalt  }
0x4e: {  	_ =	shalt  }
0x4f: {  	_ =	shalt  }
0x50: {  	_ =	shalt  }
0x51: {  	_ =	shalt  }
0x52: {  	_ =	shalt  }
0x53: {  	_ =	shalt  }
0x54: {  	_ =	shalt  }
0x55: {  	_ =	shalt  }
0x56: {  	_ =	shalt  }
0x57: {  	_ =	shalt  }
0x58: {  	_ =	shalt  }
0x59: {  	_ =	shalt  }
0x5a: {  	_ =	shalt  }
0x5b: {  	_ =	shalt  }
0x5c: {  	_ =	shalt  }
0x5d: {  	_ =	shalt  }
0x5e: {  	_ =	shalt  }
0x5f: {  	_ =	shalt  }
0x60: {  	_ =	shalt  }
0x61: {  	_ =	shalt  }
0x62: {  	_ =	shalt  }
0x63: {  	_ =	shalt  }
0x64: {  	_ =	shalt  }
0x65: {  	_ =	shalt  }
0x66: {  	_ =	shalt  }
0x67: {  	_ =	shalt  }
0x68: {  	_ =	shalt  }
0x69: {  	_ =	shalt  }
0x6a: {  	_ =	shalt  }
0x6b: {  	_ =	shalt  }
0x6c: {  	_ =	shalt  }
0x6d: {  	_ =	shalt  }
0x6e: {  	_ =	shalt  }
0x6f: {  	_ =	shalt  }
0x70: {  	_ =	shalt  }
0x71: {  	_ =	shalt  }
0x72: {  	_ =	shalt  }
0x73: {  	_ =	shalt  }
0x74: {  	_ =	shalt  }
0x75: {  	_ =	shalt  }
0x76: {  	_ =	shalt  }
0x77: {  	_ =	shalt  }
0x78: {  	_ =	shalt  }
0x79: {  	_ =	shalt  }
0x7a: {  	_ =	shalt  }
0x7b: {  	_ =	shalt  }
0x7c: {  	_ =	shalt  }
0x7d: {  	_ =	shalt  }
0x7e: {  	_ =	shalt  }
0x7f: {  	_ =	shalt  }
0x80: {  	_ =	shalt  }
0x81: {  	_ =	shalt  }
0x82: {  	_ =	shalt  }
0x83: {  	_ =	shalt  }
0x84: {  	_ =	shalt  }
0x85: {  	_ =	shalt  }
0x86: {  	_ =	shalt  }
0x87: {  	_ =	shalt  }
.Lfunc_end0:
.L_simem_size_0:
called_computation_lowered:
.L_overlay_start_0:
0x88: {  	s2 =	sld [smem:$0x3FD9]  }
0x89: {  	s3 =	sld [smem:$0x3FFE];
	_ =	sdelay $0x1  }
0x8a: {  	s1 =	srdreg.scid  }
0x8b: {  	s0 =	sand.u32 $0x1, s1  }
0x8c: {  	s17 =	sshll.u32 s0, $0xA;
	s2 =	sadd.s32 s3, s2  }
0x8d: {  	s2 =	sadd.s32 s2, s17  }
0x8e: {  	[smem:$0x3FC6] =	sst s2  }
0x8f: {  	_ = 	snop  }
0x90: {  	s2 =	sld [smem:$0x3FC9]  }
0x91: {  	s18 =	sld [smem:$0x3FD0];
	(tm) =	ssettm $0x1  }
0x92: {  	s4 =	sld [smem:$0x3FFB];
	_ =	sdelay $0x3  }
0x93: {  	_ =	strace s4  }
0x94: {  	s4 =	sld [smem:$0x3FFC];
	_ =	sdelay $0x3  }
0x95: {  	_ =	strace s4  }
0x96: {  	s4 =	sld [smem:$0x3FFD];
	_ =	sdelay $0x3  }
0x97: {  	_ =	strace s4  }
0x98: {  	_ =	strace $0x8FFFFFFF  }
0x99: {  	s19 =	sld [smem:$0x3FDB];
	_ =	sdelay $0x1  }
0x9a: {  	s5 =	simm.s32 $_scs_section_size  }
0x9b: {  	s6 =	simm.s32 $_size__tile_overlayer_lowered;
	s7 =	simm.s32 $_tile_overlayer_lowered  }
0x9c: {  	s22 =	simm.s32 $0x1BFF;
	s21 =	sshll.u32 s7, $0x1;
	s4 =	sadd.s32 s5, s19  }
0x9d: {  	s8 =	simm.s32 $0x0;
	s20 =	sshll.u32 s6, $0x1;
	s6 =	sadd.s32 s21, s4  }
0x9e: {  	[timem:s8], [sflag:s22] =	dma.local [hbm:s6], s20  }
0x9f: {  	_ =	swait.ge [sflag:s22], s20  }
0xa0: {  	s5 =	ssub.s32 $0x0, s20;
	[sflag:s22] =	ssyncset.done $0x0  }
0xa1: {  	[sflag:s22] =	ssyncadd.s32 s5;
	_ =	sdelay $0x1  }
0xa2: {  	s23 =	simm.s32 $0x1B8B  }
0xa3: {  	_ =	swait.ge [sflag:s23], $0x1  }
0xa4: {  	[sflag:s23] =	ssyncset.done $0x0  }
0xa5: {  	s25 =	simm.s32 $0x1B8E;
	s24 =	sld [smem:$0x3FFE];
	[sflag:s23] =	ssyncadd.s32 $0xFFFFFFFF  }
0xa6: {  	s26 =	simm.s32 $execute0_lowered;
	[smem:$0x3FD2] =	sst s25  }
0xa7: {  	s6 =	sshll.u32 s26, $0x1;
	_ =	strace $0x80000046;
	[dreg:$0x1] =	wrdreg $0xFFFFFFFF  }
0xa8: {  	s28 =	simm.s32 $_size_execute0_lowered;
	s4 =	sadd.s32 s4, s6;
	[dreg:$0x0] =	wrdreg $0x0  }
0xa9: {  	s6 =	sshll.u32 s28, $0x1;
	[dreg:$0x2] =	wrdreg s4  }
0xaa: {  	[dreg:$0x3] =	wrdreg s6  }
0xab: {  	[dreg:$0x4] =	wrdreg $0xC0  }
0xac: {  	_ =	task [dreg:s8], $0x5FFFF  }
0xad: {  	[dreg:$0x1] =	wrdreg $0xFFFFFFFF  }
0xae: {  	[dreg:$0x0] =	wrdreg $0x60  }
0xaf: {  	[dreg:$0x2] =	wrdreg s2  }
0xb0: {  	[dreg:$0x3] =	wrdreg s24  }
0xb1: {  	[dreg:$0x4] =	wrdreg s18  }
0xb2: {  	[dreg:$0x5] =	wrdreg $0x102000  }
0xb3: {  	[dreg:$0x6] =	wrdreg $0x9  }
0xb4: {  	_ =	task.clear_ibuf [dreg:s8], $0x7FFFF;
	_ =	strace $0x90000046  }
0xb5: {  	s29 =	simm.s32 $0x9;
	_ =	strace $0x80000048  }
0xb6: {  	_ =	swait.ge [sflag:s29], $0x1  }
0xb7: {  	[sflag:s29] =	ssyncadd.s32 $0xFFFFFFFF  }
0xb8: {  	_ =	strace $0x90000048  }
0xb9: {  	_ =	sfence  }
0xba: {  	s30 =	sld [smem:$0x0];
	_ =	sdelay $0x2  }
0xbb: {  	s31 =	sshll.u32 s1, $0xD;
	s1 =	sshrl.u32 s1, $0x2  }
0xbc: {  	s3 =	sand.u32 $0x4000, s31;
	s1 =	sadd.s32 s1, s30  }
0xbd: {  	s0 =	sor.u32 s3, s0;
	s1 =	sshll.u32 s1, $0x11  }
0xbe: {  	s0 =	sor.u32 s1, s0  }
0xbf: {  	s0 =	sadd.s32 $0x8F2B, s0  }
0xc0: {  	[sflag:s0] =	ssyncadd.remote.s32 $0x1  }
0xc1: {  	_ =	sfence.sel $0xFFFF  }
0xc2: {  	[dreg:$0x0] =	wrdreg $0xFFFFFFFF;
	(pc) =	sbr.abs _section_cstart, $3  }
0xc3: {  	[dreg:$0x1] =	wrdreg $0xFFFFFFFF  }
0xc4: {  	_ =	task.clear_ibuf [dreg:s8], $0x2FFFF;
	_ =	strace $0x9FFFFFFF  }
0xc5: {  	(tm) =	ssettm $0x7FFFFFFF  }
tec
execute0_lowered:
.L_overlay_start_1:
0x0: {  	(tag) =	ssettag $0x1  }
0x1: {  	s4 =	rddreg [dreg:$0x0]  }
0x2: {  	s5 =	rddreg [dreg:$0x1]  }
0x3: {  	s13 =	rddreg [dreg:$0x2];
	s1 =	srdreg.scid  }
0x4: {  	s2 =	rddreg [dreg:$0x3];
	s30 =	sand.u32 $0x1, s1  }
0x5: {  	s3 =	simm.s32 $0x0;
	s1 =	stileid.u32;
	s6 =	sshll.u32 s30, $0x6  }
0x6: {  	[smem:$0x7FF] =	sst s3;
	s7 =	sshll.u32 s1, $0x7;
	s4 =	sadd.s32 s4, s6  }
0x7: {  	s9 =	simm.s32 $0x8200;
	_ =	strace $0x80000047;
	s4 =	sadd.s32 s7, s4  }
0x8: {  	s23 =	smul.u32 $0x3F, s1;
	s10 =	sshll.u32 s1, $0x6;
	[dreg:$0x5] =	wrdreg s4  }
0x9: {  	s4 =	sadd.s32 $0x400, s5;
	s5 =	simm.s32 $0x5;
	s24 =	rddreg [dreg:$0x5]  }
0xa: {  	[tilespmem:s3], [sflag:$0x5] =	stream.linear.gather [hbm4b:s24+s3], $0x200, $0x38;
	[tilespmem:$0x17F00] =	vst v63  }
0xb: {  	s25 =	smin.u32 s23, $0x3A9;
	s7 =	simm.s32 $0x40;
	_ =	swait.ge [sflag:s5], $0x200  }
0xc: {  	s8 =	sshll.u32 s25, $0x9;
	s26 =	sshll.u32 s25, $0x6;
	[sflag:s5] =	ssyncset.done $0x0  }
0xd: {  	s11 =	sadd.s32 s8, s2;
	s8 =	simm.s32 $0x200;
	[sflag:s5] =	ssyncadd.s32 $0xFFFFFE00  }
0xe: {  	[tilespmem:s8], [sflag:$0x1] =	stream.indirect.gather [hbm4b:s4+s7], $0x200, s3, s7, $0xb8;
	[tilespmem:$0x17F00] =	vst v63  }
0xf: {  	s10 =	sor.u32 $0x1C05, s10;
	s6 =	sadd.s32 s4, s26;
	s11 =	sshrl.u32 s11, $0x3  }
0x10: {  	[tilespmem:s9], [sflag:$0x2] =	stream.indirect.gather [hbm4b:s4+s7], $0x200, s7, s7, $0xb8;
	[tilespmem:$0x17F00] =	vst v63  }
0x11: {  	[spmem:s11], [sflag:s10] =	dma.local [hbm:s6], $0xFC0  }
0x12: {  	_ =	swait.ge [sflag:s5], $0xFC0  }
0x13: {  	[sflag:s5] =	ssyncset.done $0x0  }
0x14: {  	[sflag:s5] =	ssyncadd.s32 $0xFFFFF040  }
0x15: {  	s12 =	simm.s32 $0x1;
	[bflag:$0x0] =	sbarrier.arrive $0xFFFF  }
0x16: {  	s14 =	sshll.u32 s1, $0x10;
	s15 =	sshll.u32 s30, $0xF;
	_ =	swait.ge [sflag:s12], $0x8000  }
0x17: {  	s14 =	sor.u32 s15, s14;
	[sflag:s12] =	ssyncset.done $0x0  }
0x18: {  	s13 =	sadd.s32 s13, s14;
	s14 =	simm.s32 $0x3;
	[sflag:s12] =	ssyncadd.s32 $0xFFFF8000  }
0x19: {  	[hbm4b:s13+s3] =	stream.linear.scatter [tilespmem:s8], [sflag:$0x3], $0x8000, $0x38;
	[tilespmem:$0x17F00] =	vst v63  }
0x1a: {  	_ =	swait.ge [sflag:s14], $0x8000  }
0x1b: {  	[sflag:s14] =	ssyncset.done $0x0  }
0x1c: {  	s16 =	simm.s32 $0x2;
	s15 =	simm.s32 $0x80;
	[sflag:s14] =	ssyncadd.s32 $0xFFFF8000  }
0x1d: {  	[tilespmem:s8], [sflag:$0x1] =	stream.indirect.gather [spmem:s2], $0x200, s15, s7, $0xb8;
	[tilespmem:$0x17F00] =	vst v63  }
0x1e: {  	_ =	swait.ge [sflag:s16], $0x8000  }
0x1f: {  	[sflag:s16] =	ssyncset.done $0x0  }
0x20: {  	s17 =	simm.s32 $0x4;
	s18 =	sadd.s32 $0x1000, s13;
	[sflag:s16] =	ssyncadd.s32 $0xFFFF8000  }
0x21: {  	[hbm4b:s18+s3] =	stream.linear.scatter [tilespmem:s9], [sflag:$0x4], $0x8000, $0x38;
	[tilespmem:$0x17F00] =	vst v63  }
0x22: {  	_ =	swait.ge [sflag:s17], $0x8000  }
0x23: {  	[sflag:s17] =	ssyncset.done $0x0  }
0x24: {  	s19 =	simm.s32 $0xC0;
	[sflag:s17] =	ssyncadd.s32 $0xFFFF8000  }
0x25: {  	[tilespmem:s9], [sflag:$0x2] =	stream.indirect.gather [spmem:s2], $0x200, s19, s7, $0xb8;
	[tilespmem:$0x17F00] =	vst v63  }
0x26: {  	_ =	swait.ge [sflag:s12], $0x8000  }
0x27: {  	[sflag:s12] =	ssyncset.done $0x0  }
0x28: {  	s20 =	sadd.s32 $0x2000, s13;
	[sflag:s12] =	ssyncadd.s32 $0xFFFF8000  }
0x29: {  	[hbm4b:s20+s3] =	stream.linear.scatter [tilespmem:s8], [sflag:$0x3], $0x8000, $0x38;
	[tilespmem:$0x17F00] =	vst v63  }
0x2a: {  	_ =	swait.ge [sflag:s14], $0x8000  }
0x2b: {  	[sflag:s14] =	ssyncset.done $0x0  }
0x2c: {  	s21 =	simm.s32 $0x100;
	[sflag:s14] =	ssyncadd.s32 $0xFFFF8000  }
0x2d: {  	[tilespmem:s8], [sflag:$0x1] =	stream.indirect.gather [spmem:s2], $0x200, s21, s7, $0xb8;
	[tilespmem:$0x17F00] =	vst v63  }
0x2e: {  	_ =	swait.ge [sflag:s16], $0x8000  }
0x2f: {  	[sflag:s16] =	ssyncset.done $0x0  }
0x30: {  	s22 =	sadd.s32 $0x3000, s13;
	[sflag:s16] =	ssyncadd.s32 $0xFFFF8000  }
0x31: {  	[hbm4b:s22+s3] =	stream.linear.scatter [tilespmem:s9], [sflag:$0x4], $0x8000, $0x38;
	[tilespmem:$0x17F00] =	vst v63  }
0x32: {  	_ =	swait.ge [sflag:s17], $0x8000  }
0x33: {  	[sflag:s17] =	ssyncset.done $0x0  }
0x34: {  	s23 =	simm.s32 $0x140;
	[sflag:s17] =	ssyncadd.s32 $0xFFFF8000  }
0x35: {  	[tilespmem:s9], [sflag:$0x2] =	stream.indirect.gather [spmem:s2], $0x200, s23, s7, $0xb8;
	[tilespmem:$0x17F00] =	vst v63  }
0x36: {  	_ =	swait.ge [sflag:s12], $0x8000  }
0x37: {  	[sflag:s12] =	ssyncset.done $0x0  }
0x38: {  	s24 =	sadd.s32 $0x4000, s13;
	[sflag:s12] =	ssyncadd.s32 $0xFFFF8000  }
0x39: {  	[hbm4b:s24+s3] =	stream.linear.scatter [tilespmem:s8], [sflag:$0x3], $0x8000, $0x38;
	[tilespmem:$0x17F00] =	vst v63  }
0x3a: {  	_ =	swait.ge [sflag:s14], $0x8000  }
0x3b: {  	[sflag:s14] =	ssyncset.done $0x0  }
0x3c: {  	s25 =	simm.s32 $0x180;
	[sflag:s14] =	ssyncadd.s32 $0xFFFF8000  }
0x3d: {  	[tilespmem:s8], [sflag:$0x1] =	stream.indirect.gather [spmem:s2], $0x200, s25, s7, $0xb8;
	[tilespmem:$0x17F00] =	vst v63  }
0x3e: {  	_ =	swait.ge [sflag:s16], $0x8000  }
0x3f: {  	[sflag:s16] =	ssyncset.done $0x0  }
0x40: {  	s26 =	sadd.s32 $0x5000, s13;
	[sflag:s16] =	ssyncadd.s32 $0xFFFF8000  }
0x41: {  	[hbm4b:s26+s3] =	stream.linear.scatter [tilespmem:s9], [sflag:$0x4], $0x8000, $0x38;
	[tilespmem:$0x17F00] =	vst v63  }
0x42: {  	_ =	swait.ge [sflag:s17], $0x8000  }
0x43: {  	[sflag:s17] =	ssyncset.done $0x0  }
0x44: {  	s28 =	simm.s32 $0x1C0;
	[sflag:s17] =	ssyncadd.s32 $0xFFFF8000  }
0x45: {  	[tilespmem:s9], [sflag:$0x2] =	stream.indirect.gather [spmem:s2], $0x200, s28, s7, $0xb8;
	[tilespmem:$0x17F00] =	vst v63  }
0x46: {  	_ =	swait.ge [sflag:s12], $0x8000  }
0x47: {  	s31 =	ssub.s32 $0x2, s30;
	[sflag:s12] =	ssyncset.done $0x0  }
0x48: {  	s0 =	sshrl.u32 s31, $0x1;
	s29 =	sadd.s32 $0x6000, s13;
	[sflag:s12] =	ssyncadd.s32 $0xFFFF8000  }
0x49: {  	[hbm4b:s29+s3] =	stream.linear.scatter [tilespmem:s8], [sflag:$0x3], $0x8000, $0x38;
	[tilespmem:$0x17F00] =	vst v63  }
0x4a: {  	s0 =	ssub.s32 s31, s0;
	_ =	swait.ge [sflag:s16], $0x8000  }
0x4b: {  	s0 =	smax.u32 s0, $0x1;
	[sflag:s16] =	ssyncset.done $0x0  }
0x4c: {  	s30 =	sadd.s32 $0x7000, s13;
	p0 =	sne.s32 s0, $0x1;
	[sflag:s16] =	ssyncadd.s32 $0xFFFF8000  }
0x4d: {  	[hbm4b:s30+s3] =	stream.linear.scatter [tilespmem:s9], [sflag:$0x4], $0x8000, $0x38;
	[tilespmem:$0x17F00] =	vst v63  }
.Ltmp0:
0x4e: {  	_ =	swait.ge [sflag:s14], $0x8000;
	(pc) =	sbr.rel @!p0 .LBB2_2-.Ltmp0, $4  }
0x4f: {  	[sflag:s14] =	ssyncset.done $0x0  }
0x50: {  	[sflag:s14] =	ssyncadd.s32 $0xFFFF8000  }
0x51: {  	_ =	swait.ge [sflag:s17], $0x8000  }
0x52: {  	s31 =	sadd.s32 $0xFFFFFFFF, s0;
	[sflag:s17] =	ssyncset.done $0x0  }
.LBB2_1:
0x53: {  	s0 =	rddreg [dreg:$0x5];
	[sflag:s17] =	ssyncadd.s32 $0xFFFF8000  }
0x54: {  	[tilespmem:s3], [sflag:$0x5] =	stream.linear.gather [hbm4b:s0+s3], $0x200, $0x38;
	[tilespmem:$0x17F00] =	vst v63  }
0x55: {  	_ =	swait.ge [sflag:s5], $0x200  }
0x56: {  	[sflag:s5] =	ssyncset.done $0x0  }
0x57: {  	[sflag:s5] =	ssyncadd.s32 $0xFFFFFE00  }
0x58: {  	[tilespmem:s8], [sflag:$0x1] =	stream.indirect.gather [hbm4b:s4+s7], $0x200, s3, s7, $0xb8;
	[tilespmem:$0x17F00] =	vst v63  }
0x59: {  	_ = 	snop  }
0x5a: {  	[tilespmem:s9], [sflag:$0x2] =	stream.indirect.gather [hbm4b:s4+s7], $0x200, s7, s7, $0xb8;
	[tilespmem:$0x17F00] =	vst v63  }
0x5b: {  	[spmem:s11], [sflag:s10] =	dma.local [hbm:s6], $0xFC0  }
0x5c: {  	_ =	swait.ge [sflag:s5], $0xFC0  }
0x5d: {  	[sflag:s5] =	ssyncset.done $0x0  }
0x5e: {  	[sflag:s5] =	ssyncadd.s32 $0xFFFFF040  }
0x5f: {  	[bflag:$0x0] =	sbarrier.arrive $0xFFFF  }
0x60: {  	_ =	swait.ge [sflag:s12], $0x8000  }
0x61: {  	[sflag:s12] =	ssyncset.done $0x0  }
0x62: {  	[sflag:s12] =	ssyncadd.s32 $0xFFFF8000  }
0x63: {  	[hbm4b:s13+s3] =	stream.linear.scatter [tilespmem:s8], [sflag:$0x3], $0x8000, $0x38;
	[tilespmem:$0x17F00] =	vst v63  }
0x64: {  	_ =	swait.ge [sflag:s14], $0x8000  }
0x65: {  	[sflag:s14] =	ssyncset.done $0x0  }
0x66: {  	[sflag:s14] =	ssyncadd.s32 $0xFFFF8000  }
0x67: {  	[tilespmem:s8], [sflag:$0x1] =	stream.indirect.gather [spmem:s2], $0x200, s15, s7, $0xb8;
	[tilespmem:$0x17F00] =	vst v63  }
0x68: {  	_ =	swait.ge [sflag:s16], $0x8000  }
0x69: {  	[sflag:s16] =	ssyncset.done $0x0  }
0x6a: {  	[sflag:s16] =	ssyncadd.s32 $0xFFFF8000  }
0x6b: {  	[hbm4b:s18+s3] =	stream.linear.scatter [tilespmem:s9], [sflag:$0x4], $0x8000, $0x38;
	[tilespmem:$0x17F00] =	vst v63  }
0x6c: {  	_ =	swait.ge [sflag:s17], $0x8000  }
0x6d: {  	[sflag:s17] =	ssyncset.done $0x0  }
0x6e: {  	[sflag:s17] =	ssyncadd.s32 $0xFFFF8000  }
0x6f: {  	[tilespmem:s9], [sflag:$0x2] =	stream.indirect.gather [spmem:s2], $0x200, s19, s7, $0xb8;
	[tilespmem:$0x17F00] =	vst v63  }
0x70: {  	_ =	swait.ge [sflag:s12], $0x8000  }
0x71: {  	[sflag:s12] =	ssyncset.done $0x0  }
0x72: {  	[sflag:s12] =	ssyncadd.s32 $0xFFFF8000  }
0x73: {  	[hbm4b:s20+s3] =	stream.linear.scatter [tilespmem:s8], [sflag:$0x3], $0x8000, $0x38;
	[tilespmem:$0x17F00] =	vst v63  }
0x74: {  	_ =	swait.ge [sflag:s14], $0x8000  }
0x75: {  	[sflag:s14] =	ssyncset.done $0x0  }
0x76: {  	[sflag:s14] =	ssyncadd.s32 $0xFFFF8000  }
0x77: {  	[tilespmem:s8], [sflag:$0x1] =	stream.indirect.gather [spmem:s2], $0x200, s21, s7, $0xb8;
	[tilespmem:$0x17F00] =	vst v63  }
0x78: {  	_ =	swait.ge [sflag:s16], $0x8000  }
0x79: {  	[sflag:s16] =	ssyncset.done $0x0  }
0x7a: {  	[sflag:s16] =	ssyncadd.s32 $0xFFFF8000  }
0x7b: {  	[hbm4b:s22+s3] =	stream.linear.scatter [tilespmem:s9], [sflag:$0x4], $0x8000, $0x38;
	[tilespmem:$0x17F00] =	vst v63  }
0x7c: {  	_ =	swait.ge [sflag:s17], $0x8000  }
0x7d: {  	[sflag:s17] =	ssyncset.done $0x0  }
0x7e: {  	[sflag:s17] =	ssyncadd.s32 $0xFFFF8000  }
0x7f: {  	[tilespmem:s9], [sflag:$0x2] =	stream.indirect.gather [spmem:s2], $0x200, s23, s7, $0xb8;
	[tilespmem:$0x17F00] =	vst v63  }
0x80: {  	_ =	swait.ge [sflag:s12], $0x8000  }
0x81: {  	[sflag:s12] =	ssyncset.done $0x0  }
0x82: {  	[sflag:s12] =	ssyncadd.s32 $0xFFFF8000  }
0x83: {  	[hbm4b:s24+s3] =	stream.linear.scatter [tilespmem:s8], [sflag:$0x3], $0x8000, $0x38;
	[tilespmem:$0x17F00] =	vst v63  }
0x84: {  	_ =	swait.ge [sflag:s14], $0x8000  }
0x85: {  	[sflag:s14] =	ssyncset.done $0x0  }
0x86: {  	[sflag:s14] =	ssyncadd.s32 $0xFFFF8000  }
0x87: {  	[tilespmem:s8], [sflag:$0x1] =	stream.indirect.gather [spmem:s2], $0x200, s25, s7, $0xb8;
	[tilespmem:$0x17F00] =	vst v63  }
0x88: {  	_ =	swait.ge [sflag:s16], $0x8000  }
0x89: {  	[sflag:s16] =	ssyncset.done $0x0  }
0x8a: {  	[sflag:s16] =	ssyncadd.s32 $0xFFFF8000  }
0x8b: {  	[hbm4b:s26+s3] =	stream.linear.scatter [tilespmem:s9], [sflag:$0x4], $0x8000, $0x38;
	[tilespmem:$0x17F00] =	vst v63  }
0x8c: {  	_ =	swait.ge [sflag:s17], $0x8000  }
0x8d: {  	[sflag:s17] =	ssyncset.done $0x0  }
0x8e: {  	[sflag:s17] =	ssyncadd.s32 $0xFFFF8000  }
0x8f: {  	[tilespmem:s9], [sflag:$0x2] =	stream.indirect.gather [spmem:s2], $0x200, s28, s7, $0xb8;
	[tilespmem:$0x17F00] =	vst v63  }
0x90: {  	_ =	swait.ge [sflag:s12], $0x8000  }
0x91: {  	[sflag:s12] =	ssyncset.done $0x0  }
0x92: {  	[sflag:s12] =	ssyncadd.s32 $0xFFFF8000  }
0x93: {  	[hbm4b:s29+s3] =	stream.linear.scatter [tilespmem:s8], [sflag:$0x3], $0x8000, $0x38;
	[tilespmem:$0x17F00] =	vst v63  }
0x94: {  	_ =	swait.ge [sflag:s16], $0x8000  }
0x95: {  	[sflag:s16] =	ssyncset.done $0x0  }
0x96: {  	p0 =	sne.s32 s31, $0x1;
	[sflag:s16] =	ssyncadd.s32 $0xFFFF8000  }
0x97: {  	[hbm4b:s30+s3] =	stream.linear.scatter [tilespmem:s9], [sflag:$0x4], $0x8000, $0x38;
	[tilespmem:$0x17F00] =	vst v63  }
.Ltmp1:
0x98: {  	_ =	swait.ge [sflag:s14], $0x8000;
	(pc) =	sbr.rel @p0 .LBB2_1-.Ltmp1, $4  }
0x99: {  	[sflag:s14] =	ssyncset.done $0x0  }
0x9a: {  	[sflag:s14] =	ssyncadd.s32 $0xFFFF8000  }
0x9b: {  	_ =	swait.ge [sflag:s17], $0x8000  }
0x9c: {  	s31 =	sadd.s32 $0xFFFFFFFF, s31;
	[sflag:s17] =	ssyncset.done $0x0  }
.LBB2_2:
0x9d: {  	[sflag:s17] =	ssyncadd.s32 $0xFFFF8000  }
0x9e: {  	_ =	sfence.sel $0x180000  }
0x9f: {  	[bflag:$0x0] =	sbarrier.arrive $0xFFFF  }
0xa0: {  	_ =	strace $0x90000047  }
0xa1: {  	[bflag:$0x2] =	sbarrier.arrive $0xFFFF  }
0xa2: {  	p0 =	sne.s32 s1, $0x0;
	s0 =	rddreg [dreg:$0x4]  }
0xa3: {  	s0 =	sadd.s32 @!p0 $0x100000, s0  }
0xa4: {  	[sflag:s0] =	ssyncadd.tile.s32 @!p0 $0x1;
	_ =	shalt  }
.Lfunc_end2:
_tile_overlayer_lowered:
.L_overlay_start_2:
0xa5: {  	(tag) =	ssettag $0x2  }
0xa6: {  	s0 =	rddreg [dreg:$0x0];
	s2 =	stileid.u32  }
0xa7: {  	s1 =	rddreg [dreg:$0x1];
	p0 =	sne.s32 s2, $0x0  }
0xa8: {  	s3 =	rddreg [dreg:$0x2];
	[bflag:$0x3] =	sbarrier.arrive $0xFFFF;
	s2 =	simm.s32 @!p0 $0x1C05  }
0xa9: {  	[timem:s3], [sflag:s2] =	dma.local @!p0 [hbm:s0], s1  }
0xaa: {  	s0 =	simm.s32 @!p0 $0x5  }
0xab: {  	_ =	swait.ge @!p0 [sflag:s0], s1  }
0xac: {  	s1 =	ssub.s32 @!p0 $0x0, s1;
	[sflag:s0] =	ssyncset.done @!p0 $0x0  }
0xad: {  	[sflag:s0] =	ssyncadd.s32 @!p0 s1  }
0xae: {  	[bflag:$0x3] =	sbarrier.arrive $0xFFFF  }
0xaf: {  	_ =	shalt  }

</sc_bundles>
